<compile_context>
chip_gen: v7x
topology: tpu7x:2x2x1
jax: 0.10.2.dev20260603
libtpu: 0.0.44.dev20260713+nightly
codegen_flags: <defaults>
</compile_context>

<pallas_src>
import functools

import jax
import jax.numpy as jnp
from jax import lax
from jax.experimental import pallas as pl
from jax.experimental.pallas import tpu as pltpu
from jax.experimental.pallas import tpu_sc as plsc

_GCOLS = 1024
_NGRP = 977
_PER_W = 31
_CAP = 64
_TRASH = 16384
_SBITS = 14


@jax.jit
def _gather_sc(activity_ids, embedding_table):
    (B,) = activity_ids.shape
    V, D = embedding_table.shape
    tT = embedding_table.T
    main_cols = (_NGRP - 1) * _GCOLS
    edge = jnp.pad(tT[:, main_cols:], ((0, 0), (0, _NGRP * _GCOLS - V)))

    mesh = plsc.VectorSubcoreMesh(core_axis_name="c", subcore_axis_name="s")

    @functools.partial(
        pl.kernel,
        out_type=jax.ShapeDtypeStruct((B + 40, 128), jnp.float32),
        mesh=mesh,
        scratch_types=[
            pltpu.VMEM((B,), jnp.int32),
            pltpu.VMEM((B,), jnp.int32),
            pltpu.VMEM((B + 16,), jnp.int32),
            pltpu.VMEM((64,), jnp.int32),
            pltpu.VMEM((64,), jnp.int32),
            pltpu.VMEM((16,), jnp.int32),
            pltpu.VMEM((D, _GCOLS), jnp.float32),
            pltpu.VMEM((_CAP, 128), jnp.float32),
            pltpu.VMEM((_CAP,), jnp.int32),
            pltpu.SemaphoreType.DMA,
        ],
        compiler_params=pltpu.CompilerParams(needs_layout_passes=False),
    )
    def k(ids_hbm, tT_hbm, edge_hbm, out_hbm,
          ids_v, bin_v, srt_v, cur_v, beg_v, tmp_v, blk_v, stage_v, slot_v,
          sem):
        wid = lax.axis_index("s") * 2 + lax.axis_index("c")
        lo = wid * _PER_W
        hi = jnp.minimum(lo + _PER_W, _NGRP)

        pltpu.sync_copy(ids_hbm, ids_v)

        lane = lax.iota(jnp.int32, 16)
        ones = jnp.full((16,), 1, jnp.int32)
        trash = jnp.broadcast_to(_TRASH + wid, (16,))

        def bin_body(i, cnt):
            v = ids_v[pl.ds(i * 16, 16)]
            g = lax.shift_right_logical(v, 10)
            m = (g >= lo) & (g < hi)
            pos = cnt + plsc.cumsum(jnp.where(m, 1, 0)) - 1
            packed = lax.shift_left(v - lo * _GCOLS, _SBITS) | (lane + i * 16)
            plsc.store_scatter(bin_v, [pos], packed, mask=m)
            return cnt + jnp.sum(jnp.where(m, 1, 0))

        with jax.named_scope("phaseB_bin"):
            cnt = lax.fori_loop(0, B // 16, bin_body, jnp.int32(0),
                                unroll=False)
        nvec = lax.div(cnt + 15, jnp.int32(16))

        with jax.named_scope("phaseB2_sort"):
            for r in range(4):
                cur_v[pl.ds(r * 16, 16)] = jnp.zeros((16,), jnp.int32)

            def cnt_body(i, _):
                p = bin_v[pl.ds(i * 16, 16)]
                valid = lane + i * 16 < cnt
                key = jnp.where(valid, lax.shift_right_logical(p, 24), 48)
                plsc.addupdate_scatter(cur_v, [key], ones, mask=valid)
                return 0

            lax.fori_loop(0, nvec, cnt_body, 0, unroll=False)

            c0 = cur_v[pl.ds(0, 16)]
            c1 = cur_v[pl.ds(16, 16)]
            s0 = plsc.cumsum(c0) - c0
            s1 = plsc.cumsum(c1) - c1 + jnp.sum(c0)
            cur_v[pl.ds(0, 16)] = s0
            cur_v[pl.ds(16, 16)] = s1
            beg_v[pl.ds(0, 16)] = s0
            beg_v[pl.ds(16, 16)] = s1

            def place_body(i, _):
                p = bin_v[pl.ds(i * 16, 16)]
                valid = lane + i * 16 < cnt
                key = jnp.where(valid, lax.shift_right_logical(p, 24), 48)
                sk, sperm = plsc.sort_key_val(key, lane)
                p_srt = plsc.load_gather(bin_v, [i * 16 + sperm])
                tmp_v[pl.ds(0, 16)] = sk
                prev = plsc.load_gather(tmp_v, [jnp.maximum(lane - 1, 0)])
                newseg = (lane == 0) | (prev != sk)
                spos = plsc.cummax(jnp.where(newseg, lane, 0))
                occ = lane - spos
                base = plsc.load_gather(cur_v, [sk])
                ok = sk < 48
                plsc.store_scatter(srt_v, [base + occ], p_srt, mask=ok)
                plsc.addupdate_scatter(cur_v, [sk], ones, mask=ok)
                return 0

            lax.fori_loop(0, nvec, place_body, 0, unroll=False)

        for r in range(_CAP // 16):
            slot_v[pl.ds(r * 16, 16)] = trash

        def flush():
            cp = pltpu.make_async_copy(stage_v, out_hbm.at[slot_v], sem)
            cp.start()
            cp.wait()
            for r in range(_CAP // 16):
                slot_v[pl.ds(r * 16, 16)] = trash

        def grp_body(g, scnt):
            @pl.when(g == _NGRP - 1)
            def _():
                pltpu.sync_copy(edge_hbm, blk_v)

            @pl.when(g != _NGRP - 1)
            def _():
                pltpu.sync_copy(tT_hbm.at[:, pl.ds(g * _GCOLS, _GCOLS)],
                                blk_v)

            jloc = g - lo
            sel = lane == (jloc & 15)
            bvec = beg_v[pl.ds((jloc >> 4) * 16, 16)]
            evec = cur_v[pl.ds((jloc >> 4) * 16, 16)]
            beg = jnp.sum(jnp.where(sel, bvec, 0))
            end = jnp.sum(jnp.where(sel, evec, 0))

            def chunk_body(q, scnt):
                base = beg + q * 16
                pch = srt_v[pl.ds(base, 16)]
                m = base + lane < end
                nm = jnp.sum(jnp.where(m, 1, 0))
                w = lax.shift_right_logical(pch, _SBITS) & (_GCOLS - 1)
                rows = scnt + plsc.cumsum(jnp.where(m, 1, 0)) - 1

                def d_body(d, dv):
                    vals = plsc.load_gather(blk_v, [dv, w])
                    plsc.store_scatter(stage_v, [rows, dv], vals, mask=m)
                    return dv + 1

                lax.fori_loop(0, D, d_body, jnp.zeros((16,), jnp.int32),
                              unroll=8)
                plsc.store_scatter(slot_v, [rows], pch & (2**_SBITS - 1),
                                   mask=m)
                scnt = scnt + nm

                @pl.when(scnt > _CAP - 16)
                def _():
                    flush()

                return jnp.where(scnt > _CAP - 16, 0, scnt)

            nq = lax.shift_right_logical(end - beg + 15, 4)
            return lax.fori_loop(0, nq, chunk_body, scnt, unroll=False)

        with jax.named_scope("phaseC_stream"):
            scnt = lax.fori_loop(lo, hi, grp_body, jnp.int32(0),
                                 unroll=False)

        @pl.when(scnt > 0)
        def _():
            flush()

    outp = k(activity_ids, tT, edge)
    return outp[:B, :D]


def kernel(activity_ids, embedding_table):
    return _gather_sc(activity_ids, embedding_table)

# --- scband reference (transcript-rebuilt; emitter-appended) ---
"""Pipeline reference for scband-activity-tower-60670708023574 (READ-ONLY COPY).

The authoritative reference and input builder live on the scoring server;
editing this copy changes nothing except your own understanding.
"""

import jax, jax.numpy as jnp
import numpy as np

NUM_ACTIVITIES = 1000000
EMBED_DIM = 64
BATCH = 16384

def setup_inputs(seed: int = 0) -> dict:
    key = jax.random.key(seed)
    k_idx, k_tab = jax.random.split(key)
    activity_ids = jax.random.randint(k_idx, (BATCH,), 0, NUM_ACTIVITIES, dtype=jnp.int32)
    # Embedding table parameter (matches torch nn.Embedding default init: N(0, 1))
    embedding_table = jax.random.normal(k_tab, (NUM_ACTIVITIES, EMBED_DIM), dtype=jnp.float32)
    return {"activity_ids": activity_ids, "embedding_table": embedding_table}

def reference(activity_ids, embedding_table):
    # nn.Embedding forward == row gather from the table
    return jnp.take(embedding_table, activity_ids, axis=0)

if __name__ == "__main__":
    import jax
    _d = setup_inputs()
    print(jax.jit(kernel)(*tuple(_d.values())))

</pallas_src>

<mosaic_0001>
#map = affine_map<(d0, d1) -> (0)>
#map1 = affine_map<(d0, d1) -> (0, 0)>
module attributes {stable_mosaic.version = 14 : i64} {
  func.func @k(%arg0: i32, %arg1: i32, %arg2: memref<16384xi32, #tpu.memory_space<hbm>>, %arg3: memref<64x1000000xf32, #tpu.memory_space<hbm>>, %arg4: memref<64x1024xf32, #tpu.memory_space<hbm>>, %arg5: memref<16424x128xf32, #tpu.memory_space<hbm>>, %arg6: memref<16384xi32, #tpu.memory_space<vmem>>, %arg7: memref<16384xi32, #tpu.memory_space<vmem>>, %arg8: memref<16400xi32, #tpu.memory_space<vmem>>, %arg9: memref<64xi32, #tpu.memory_space<vmem>>, %arg10: memref<64xi32, #tpu.memory_space<vmem>>, %arg11: memref<16xi32, #tpu.memory_space<vmem>>, %arg12: memref<64x1024xf32, #tpu.memory_space<vmem>>, %arg13: memref<64x128xf32, #tpu.memory_space<vmem>>, %arg14: memref<64xi32, #tpu.memory_space<vmem>>, %arg15: memref<!tpu.dma_semaphore, #tpu.memory_space<semaphore_mem>>) attributes {dimension_semantics = [#tpu.dimension_semantics<core_parallel>, #tpu.dimension_semantics<subcore_parallel>], iteration_bounds = array<i64: 2, 16>, scalar_prefetch = 0 : i64, scratch_operands = 10 : i64, tpu.core_type = #tpu.core_type<sc_vector_subcore>, window_params = [{transform_indices = #map}, {transform_indices = #map1}, {transform_indices = #map1}, {transform_indices = #map1}]} {
    %mul3A = arith.constant 2 : i32
    %mul3A_0 = arith.muli %arg1, %mul3A : i32
    %add3A = arith.addi %mul3A_0, %arg0 : i32
    %mul3A_1 = arith.constant 31 : i32
    %mul3A_2 = arith.muli %add3A, %mul3A_1 : i32
    %add3A_3 = arith.constant 31 : i32
    %add3A_4 = arith.addi %mul3A_2, %add3A_3 : i32
    %min3A = arith.constant 977 : i32
    %min3A_5 = arith.minsi %add3A_4, %min3A : i32
    "tpu.region"() ({
      %run_scoped3A = tpu.sem_alloc : memref<!tpu.dma_semaphore, #tpu.memory_space<semaphore_mem>>
      tpu.enqueue_dma source(%arg2 : memref<16384xi32, #tpu.memory_space<hbm>>) target(%arg6 : memref<16384xi32, #tpu.memory_space<vmem>>) target_semaphore(%run_scoped3A : memref<!tpu.dma_semaphore, #tpu.memory_space<semaphore_mem>>)
      tpu.wait_dma2 semaphore(%run_scoped3A : memref<!tpu.dma_semaphore, #tpu.memory_space<semaphore_mem>>) src(%arg2 : memref<16384xi32, #tpu.memory_space<hbm>>) dst(%arg6 : memref<16384xi32, #tpu.memory_space<vmem>>)
      tpu.yield
    }) : () -> ()
    %iota3A = tpu.iota {dimensions = array<i32: 0>} : vector<16xi32>
    %broadcast_in_dim3A = arith.constant 1 : i32
    %broadcast_in_dim3A_6 = vector.broadcast %broadcast_in_dim3A : i32 to vector<16xi32>
    %add3A_7 = arith.constant 16384 : i32
    %add3A_8 = arith.addi %add3A_7, %add3A : i32
    %broadcast_in_dim3A_9 = vector.broadcast %add3A_8 : i32 to vector<16xi32>
    "tpu.trace_start"() <{level = 10 : i32, message = "phaseB_bin"}> : () -> ()
    %scan3A = arith.constant 0 : i32
    %scan3A_10 = arith.constant 0 : i32
    %scan3A_11 = arith.constant 1024 : i32
    %scan3A_12 = arith.addi %scan3A_10, %scan3A_11 : i32
    %scan3A_13 = arith.constant 1 : i32
    %scan3A_14 = scf.for %scan3A_100 = %scan3A_10 to %scan3A_12 step %scan3A_13 iter_args(%scan3A_101 = %scan3A) -> (i32)  : i32 {
      %mul3A_102 = arith.constant 16 : i32
      %mul3A_103 = arith.muli %scan3A_100, %mul3A_102 : i32
      %get3A_104 = arith.index_cast %mul3A_103 : i32 to index
      %get3A_105 = tpu.vector_load %arg6[%get3A_104] {strides = array<i32>} : memref<16384xi32, #tpu.memory_space<vmem>>, vector<16xi32>,
      %shift_right_logical3A = arith.constant 10 : i32
      %shift_right_logical3A_106 = vector.broadcast %shift_right_logical3A : i32 to vector<16xi32>
      %shift_right_logical3A_107 = arith.shrui %get3A_105, %shift_right_logical3A_106 : vector<16xi32>
      %ge3A = vector.broadcast %mul3A_2 : i32 to vector<16xi32>
      %ge3A_108 = arith.cmpi sge, %shift_right_logical3A_107, %ge3A : vector<16xi32>
      %lt3A = vector.broadcast %min3A_5 : i32 to vector<16xi32>
      %lt3A_109 = arith.cmpi slt, %shift_right_logical3A_107, %lt3A : vector<16xi32>
      %and3A = arith.andi %ge3A_108, %lt3A_109 : vector<16xi1>
      %jit3A = arith.constant 1 : i32
      %jit3A_110 = arith.constant 0 : i32
      %broadcast_in_dim3A_111 = vector.broadcast %jit3A : i32 to vector<16xi32>
      %broadcast_in_dim3A_112 = vector.broadcast %jit3A_110 : i32 to vector<16xi32>
      %select_n3A = arith.select %and3A, %broadcast_in_dim3A_111, %broadcast_in_dim3A_112 : vector<16xi1>, vector<16xi32>
      %broadcast_in_dim3A_113 = arith.constant true
      %broadcast_in_dim3A_114 = vector.broadcast %broadcast_in_dim3A_113 : i1 to vector<16xi1>
      %masked_cumsum3A_115 = tpu.scan <sum>, %select_n3A masked %broadcast_in_dim3A_114 : vector<16xi32>, vector<16xi1> -> vector<16xi32>
      %add3A_116 = vector.broadcast %scan3A_101 : i32 to vector<16xi32>
      %add3A_117 = arith.addi %add3A_116, %masked_cumsum3A_115 : vector<16xi32>
      %sub3A_118 = arith.constant 1 : i32
      %sub3A_119 = vector.broadcast %sub3A_118 : i32 to vector<16xi32>
      %sub3A_120 = arith.subi %add3A_117, %sub3A_119 : vector<16xi32>
      %mul3A_121 = arith.constant 1024 : i32
      %mul3A_122 = arith.muli %mul3A_2, %mul3A_121 : i32
      %sub3A_123 = vector.broadcast %mul3A_122 : i32 to vector<16xi32>
      %sub3A_124 = arith.subi %get3A_105, %sub3A_123 : vector<16xi32>
      %shift_left3A = arith.constant 14 : i32
      %shift_left3A_125 = vector.broadcast %shift_left3A : i32 to vector<16xi32>
      %shift_left3A_126 = arith.shli %sub3A_124, %shift_left3A_125 : vector<16xi32>
      %mul3A_127 = arith.constant 16 : i32
      %mul3A_128 = arith.muli %scan3A_100, %mul3A_127 : i32
      %add3A_129 = vector.broadcast %mul3A_128 : i32 to vector<16xi32>
      %add3A_130 = arith.addi %iota3A, %add3A_129 : vector<16xi32>
      %or3A = arith.ori %shift_left3A_126, %add3A_130 : vector<16xi32>
      tpu.vector_store_idx %arg7[%sub3A_120], %or3A masked %and3A : memref<16384xi32, #tpu.memory_space<vmem>>[vector<16xi32>], vector<16xi32>, vector<16xi1>
      %jit3A_131 = arith.constant 1 : i32
      %jit3A_132 = arith.constant 0 : i32
      %broadcast_in_dim3A_133 = vector.broadcast %jit3A_131 : i32 to vector<16xi32>
      %broadcast_in_dim3A_134 = vector.broadcast %jit3A_132 : i32 to vector<16xi32>
      %select_n3A_135 = arith.select %and3A, %broadcast_in_dim3A_133, %broadcast_in_dim3A_134 : vector<16xi1>, vector<16xi32>
      %reduce_sum3A_136 = arith.constant true
      %reduce_sum3A_137 = vector.broadcast %reduce_sum3A_136 : i1 to vector<16xi1>
      %reduce_sum3A_138 = tpu.scan <sum>, %select_n3A_135 masked %reduce_sum3A_137 : vector<16xi32>, vector<16xi1> -> vector<16xi32>
      %reduce_sum3A_139 = vector.extract %reduce_sum3A_138[15] : i32 from vector<16xi32>
      %add3A_140 = arith.addi %scan3A_101, %reduce_sum3A_139 : i32
      scf.yield %add3A_140 : i32
    }
    %scan3A_15 = arith.constant 1024 : i32
    "tpu.trace_stop"() : () -> ()
    %add3A_16 = arith.constant 15 : i32
    %add3A_17 = arith.addi %scan3A_14, %add3A_16 : i32
    %div3A = arith.constant 16 : i32
    %div3A_18 = arith.divsi %add3A_17, %div3A : i32
    %broadcast_in_dim3A_19 = arith.constant 0 : i32
    "tpu.trace_start"() <{level = 10 : i32, message = "phaseB2_sort"}> : () -> ()
    %broadcast_in_dim3A_20 = vector.broadcast %broadcast_in_dim3A_19 : i32 to vector<16xi32>
    %swap3A = arith.constant 0 : index
    %swap3A_21 = tpu.vector_load %arg9[%swap3A] {strides = array<i32>} : memref<64xi32, #tpu.memory_space<vmem>>, vector<16xi32>,
    tpu.vector_store %arg9[%swap3A], %broadcast_in_dim3A_20 {strides = array<i32>} : memref<64xi32, #tpu.memory_space<vmem>>, vector<16xi32>,
    %broadcast_in_dim3A_22 = arith.constant 0 : i32
    %broadcast_in_dim3A_23 = vector.broadcast %broadcast_in_dim3A_22 : i32 to vector<16xi32>
    %swap3A_24 = arith.constant 16 : index
    %swap3A_25 = tpu.vector_load %arg9[%swap3A_24] {strides = array<i32>} : memref<64xi32, #tpu.memory_space<vmem>>, vector<16xi32>,
    tpu.vector_store %arg9[%swap3A_24], %broadcast_in_dim3A_23 {strides = array<i32>} : memref<64xi32, #tpu.memory_space<vmem>>, vector<16xi32>,
    %broadcast_in_dim3A_26 = arith.constant 0 : i32
    %broadcast_in_dim3A_27 = vector.broadcast %broadcast_in_dim3A_26 : i32 to vector<16xi32>
    %swap3A_28 = arith.constant 32 : index
    %swap3A_29 = tpu.vector_load %arg9[%swap3A_28] {strides = array<i32>} : memref<64xi32, #tpu.memory_space<vmem>>, vector<16xi32>,
    tpu.vector_store %arg9[%swap3A_28], %broadcast_in_dim3A_27 {strides = array<i32>} : memref<64xi32, #tpu.memory_space<vmem>>, vector<16xi32>,
    %broadcast_in_dim3A_30 = arith.constant 0 : i32
    %broadcast_in_dim3A_31 = vector.broadcast %broadcast_in_dim3A_30 : i32 to vector<16xi32>
    %swap3A_32 = arith.constant 48 : index
    %swap3A_33 = tpu.vector_load %arg9[%swap3A_32] {strides = array<i32>} : memref<64xi32, #tpu.memory_space<vmem>>, vector<16xi32>,
    tpu.vector_store %arg9[%swap3A_32], %broadcast_in_dim3A_31 {strides = array<i32>} : memref<64xi32, #tpu.memory_space<vmem>>, vector<16xi32>,
    %while3A = arith.constant 0 : i32
    %while3A_34 = arith.constant 0 : i32
    %while3A_35 = arith.subi %div3A_18, %while3A : i32
    %while3A_36 = arith.addi %while3A, %while3A_35 : i32
    %while3A_37 = arith.constant 1 : i32
    %while3A_38 = arith.divsi %while3A_35, %while3A_37 : i32
    %while3A_39 = arith.muli %while3A_38, %while3A_37 : i32
    %while3A_40 = arith.addi %while3A, %while3A_39 : i32
    %while3A_41 = arith.constant 1 : i32
    %while3A_42 = scf.for %while3A_100 = %while3A to %while3A_40 step %while3A_41 iter_args(%while3A_101 = %while3A_34) -> (i32)  : i32 {
      %mul3A_102 = arith.constant 16 : i32
      %mul3A_103 = arith.muli %while3A_100, %mul3A_102 : i32
      %get3A_104 = arith.index_cast %mul3A_103 : i32 to index
      %get3A_105 = tpu.vector_load %arg7[%get3A_104] {strides = array<i32>} : memref<16384xi32, #tpu.memory_space<vmem>>, vector<16xi32>,
      %mul3A_106 = arith.constant 16 : i32
      %mul3A_107 = arith.muli %while3A_100, %mul3A_106 : i32
      %add3A_108 = vector.broadcast %mul3A_107 : i32 to vector<16xi32>
      %add3A_109 = arith.addi %iota3A, %add3A_108 : vector<16xi32>
      %lt3A = vector.broadcast %scan3A_14 : i32 to vector<16xi32>
      %lt3A_110 = arith.cmpi slt, %add3A_109, %lt3A : vector<16xi32>
      %shift_right_logical3A = arith.constant 24 : i32
      %shift_right_logical3A_111 = vector.broadcast %shift_right_logical3A : i32 to vector<16xi32>
      %shift_right_logical3A_112 = arith.shrui %get3A_105, %shift_right_logical3A_111 : vector<16xi32>
      %jit3A = arith.constant 48 : i32
      %broadcast_in_dim3A_113 = vector.broadcast %jit3A : i32 to vector<16xi32>
      %select_n3A = arith.select %lt3A_110, %shift_right_logical3A_112, %broadcast_in_dim3A_113 : vector<16xi1>, vector<16xi32>
      tpu.vector_store_idx %arg9[%select_n3A], %broadcast_in_dim3A_6 masked %lt3A_110 {add = true} : memref<64xi32, #tpu.memory_space<vmem>>[vector<16xi32>], vector<16xi32>, vector<16xi1>
      %while3A_114 = arith.constant 0 : i32
      scf.yield %while3A_114 : i32
    }
    %while3A_43 = arith.constant 1 : i32
    %while3A_44 = scf.for %while3A_100 = %while3A_40 to %while3A_36 step %while3A_43 iter_args(%while3A_101 = %while3A_42) -> (i32)  : i32 {
      %mul3A_102 = arith.constant 16 : i32
      %mul3A_103 = arith.muli %while3A_100, %mul3A_102 : i32
      %get3A_104 = arith.index_cast %mul3A_103 : i32 to index
      %get3A_105 = tpu.vector_load %arg7[%get3A_104] {strides = array<i32>} : memref<16384xi32, #tpu.memory_space<vmem>>, vector<16xi32>,
      %mul3A_106 = arith.constant 16 : i32
      %mul3A_107 = arith.muli %while3A_100, %mul3A_106 : i32
      %add3A_108 = vector.broadcast %mul3A_107 : i32 to vector<16xi32>
      %add3A_109 = arith.addi %iota3A, %add3A_108 : vector<16xi32>
      %lt3A = vector.broadcast %scan3A_14 : i32 to vector<16xi32>
      %lt3A_110 = arith.cmpi slt, %add3A_109, %lt3A : vector<16xi32>
      %shift_right_logical3A = arith.constant 24 : i32
      %shift_right_logical3A_111 = vector.broadcast %shift_right_logical3A : i32 to vector<16xi32>
      %shift_right_logical3A_112 = arith.shrui %get3A_105, %shift_right_logical3A_111 : vector<16xi32>
      %jit3A = arith.constant 48 : i32
      %broadcast_in_dim3A_113 = vector.broadcast %jit3A : i32 to vector<16xi32>
      %select_n3A = arith.select %lt3A_110, %shift_right_logical3A_112, %broadcast_in_dim3A_113 : vector<16xi1>, vector<16xi32>
      tpu.vector_store_idx %arg9[%select_n3A], %broadcast_in_dim3A_6 masked %lt3A_110 {add = true} : memref<64xi32, #tpu.memory_space<vmem>>[vector<16xi32>], vector<16xi32>, vector<16xi1>
      %while3A_114 = arith.constant 0 : i32
      scf.yield %while3A_114 : i32
    }
    %get3A = arith.constant 0 : index
    %get3A_45 = tpu.vector_load %arg9[%get3A] {strides = array<i32>} : memref<64xi32, #tpu.memory_space<vmem>>, vector<16xi32>,
    %get3A_46 = arith.constant 16 : index
    %get3A_47 = tpu.vector_load %arg9[%get3A_46] {strides = array<i32>} : memref<64xi32, #tpu.memory_space<vmem>>, vector<16xi32>,
    %broadcast_in_dim3A_48 = arith.constant true
    %broadcast_in_dim3A_49 = vector.broadcast %broadcast_in_dim3A_48 : i1 to vector<16xi1>
    %masked_cumsum3A = tpu.scan <sum>, %get3A_45 masked %broadcast_in_dim3A_49 : vector<16xi32>, vector<16xi1> -> vector<16xi32>
    %sub3A = arith.subi %masked_cumsum3A, %get3A_45 : vector<16xi32>
    %broadcast_in_dim3A_50 = arith.constant true
    %broadcast_in_dim3A_51 = vector.broadcast %broadcast_in_dim3A_50 : i1 to vector<16xi1>
    %masked_cumsum3A_52 = tpu.scan <sum>, %get3A_47 masked %broadcast_in_dim3A_51 : vector<16xi32>, vector<16xi1> -> vector<16xi32>
    %sub3A_53 = arith.subi %masked_cumsum3A_52, %get3A_47 : vector<16xi32>
    %reduce_sum3A = arith.constant true
    %reduce_sum3A_54 = vector.broadcast %reduce_sum3A : i1 to vector<16xi1>
    %reduce_sum3A_55 = tpu.scan <sum>, %get3A_45 masked %reduce_sum3A_54 : vector<16xi32>, vector<16xi1> -> vector<16xi32>
    %reduce_sum3A_56 = vector.extract %reduce_sum3A_55[15] : i32 from vector<16xi32>
    %add3A_57 = vector.broadcast %reduce_sum3A_56 : i32 to vector<16xi32>
    %add3A_58 = arith.addi %sub3A_53, %add3A_57 : vector<16xi32>
    %swap3A_59 = arith.constant 0 : index
    %swap3A_60 = tpu.vector_load %arg9[%swap3A_59] {strides = array<i32>} : memref<64xi32, #tpu.memory_space<vmem>>, vector<16xi32>,
    tpu.vector_store %arg9[%swap3A_59], %sub3A {strides = array<i32>} : memref<64xi32, #tpu.memory_space<vmem>>, vector<16xi32>,
    %swap3A_61 = arith.constant 16 : index
    %swap3A_62 = tpu.vector_load %arg9[%swap3A_61] {strides = array<i32>} : memref<64xi32, #tpu.memory_space<vmem>>, vector<16xi32>,
    tpu.vector_store %arg9[%swap3A_61], %add3A_58 {strides = array<i32>} : memref<64xi32, #tpu.memory_space<vmem>>, vector<16xi32>,
    %swap3A_63 = arith.constant 0 : index
    %swap3A_64 = tpu.vector_load %arg10[%swap3A_63] {strides = array<i32>} : memref<64xi32, #tpu.memory_space<vmem>>, vector<16xi32>,
    tpu.vector_store %arg10[%swap3A_63], %sub3A {strides = array<i32>} : memref<64xi32, #tpu.memory_space<vmem>>, vector<16xi32>,
    %swap3A_65 = arith.constant 16 : index
    %swap3A_66 = tpu.vector_load %arg10[%swap3A_65] {strides = array<i32>} : memref<64xi32, #tpu.memory_space<vmem>>, vector<16xi32>,
    tpu.vector_store %arg10[%swap3A_65], %add3A_58 {strides = array<i32>} : memref<64xi32, #tpu.memory_space<vmem>>, vector<16xi32>,
    %while3A_67 = arith.constant 0 : i32
    %while3A_68 = arith.constant 0 : i32
    %while3A_69 = arith.subi %div3A_18, %while3A_67 : i32
    %while3A_70 = arith.addi %while3A_67, %while3A_69 : i32
    %while3A_71 = arith.constant 1 : i32
    %while3A_72 = arith.divsi %while3A_69, %while3A_71 : i32
    %while3A_73 = arith.muli %while3A_72, %while3A_71 : i32
    %while3A_74 = arith.addi %while3A_67, %while3A_73 : i32
    %while3A_75 = arith.constant 1 : i32
    %while3A_76 = scf.for %while3A_100 = %while3A_67 to %while3A_74 step %while3A_75 iter_args(%while3A_101 = %while3A_68) -> (i32)  : i32 {
      %mul3A_102 = arith.constant 16 : i32
      %mul3A_103 = arith.muli %while3A_100, %mul3A_102 : i32
      %get3A_104 = arith.index_cast %mul3A_103 : i32 to index
      %get3A_105 = tpu.vector_load %arg7[%get3A_104] {strides = array<i32>} : memref<16384xi32, #tpu.memory_space<vmem>>, vector<16xi32>,
      %mul3A_106 = arith.constant 16 : i32
      %mul3A_107 = arith.muli %while3A_100, %mul3A_106 : i32
      %add3A_108 = vector.broadcast %mul3A_107 : i32 to vector<16xi32>
      %add3A_109 = arith.addi %iota3A, %add3A_108 : vector<16xi32>
      %lt3A = vector.broadcast %scan3A_14 : i32 to vector<16xi32>
      %lt3A_110 = arith.cmpi slt, %add3A_109, %lt3A : vector<16xi32>
      %shift_right_logical3A = arith.constant 24 : i32
      %shift_right_logical3A_111 = vector.broadcast %shift_right_logical3A : i32 to vector<16xi32>
      %shift_right_logical3A_112 = arith.shrui %get3A_105, %shift_right_logical3A_111 : vector<16xi32>
      %jit3A = arith.constant 48 : i32
      %broadcast_in_dim3A_113 = vector.broadcast %jit3A : i32 to vector<16xi32>
      %select_n3A = arith.select %lt3A_110, %shift_right_logical3A_112, %broadcast_in_dim3A_113 : vector<16xi1>, vector<16xi32>
      %masked_sort3A = arith.constant dense<true> : vector<16xi1>
      %masked_sort3A_114 = arith.constant -2147483648 : i32
      %masked_sort3A_115 = vector.broadcast %masked_sort3A_114 : i32 to vector<16xi32>
      %masked_sort3A_116 = arith.xori %select_n3A, %masked_sort3A_115 : vector<16xi32>
      %masked_sort3A_117, %masked_sort3A_118, %masked_sort3A_119 = tpu.sort %masked_sort3A_116, %iota3A masked %masked_sort3A : (vector<16xi32>, vector<16xi32>, vector<16xi1>) -> (vector<16xi1>, vector<16xi32>, vector<16xi32>)
      %masked_sort3A_120 = arith.xori %masked_sort3A_118, %masked_sort3A_115 : vector<16xi32>
      %mul3A_121 = arith.constant 16 : i32
      %mul3A_122 = arith.muli %while3A_100, %mul3A_121 : i32
      %add3A_123 = vector.broadcast %mul3A_122 : i32 to vector<16xi32>
      %add3A_124 = arith.addi %add3A_123, %masked_sort3A_119 : vector<16xi32>
      %gather3A = tpu.vector_load_idx %arg7[%add3A_124] : memref<16384xi32, #tpu.memory_space<vmem>>[vector<16xi32>], vector<16xi32>,
      %swap3A_125 = arith.constant 0 : index
      %swap3A_126 = tpu.vector_load %arg11[%swap3A_125] {strides = array<i32>} : memref<16xi32, #tpu.memory_space<vmem>>, vector<16xi32>,
      tpu.vector_store %arg11[%swap3A_125], %masked_sort3A_120 {strides = array<i32>} : memref<16xi32, #tpu.memory_space<vmem>>, vector<16xi32>,
      %sub3A_127 = arith.constant 1 : i32
      %sub3A_128 = vector.broadcast %sub3A_127 : i32 to vector<16xi32>
      %sub3A_129 = arith.subi %iota3A, %sub3A_128 : vector<16xi32>
      %max3A = arith.constant 0 : i32
      %max3A_130 = vector.broadcast %max3A : i32 to vector<16xi32>
      %max3A_131 = arith.maxsi %sub3A_129, %max3A_130 : vector<16xi32>
      %gather3A_132 = tpu.vector_load_idx %arg11[%max3A_131] : memref<16xi32, #tpu.memory_space<vmem>>[vector<16xi32>], vector<16xi32>,
      %eq3A = arith.constant 0 : i32
      %eq3A_133 = vector.broadcast %eq3A : i32 to vector<16xi32>
      %eq3A_134 = arith.cmpi eq, %iota3A, %eq3A_133 : vector<16xi32>
      %ne3A = arith.cmpi ne, %gather3A_132, %masked_sort3A_120 : vector<16xi32>
      %or3A = arith.ori %eq3A_134, %ne3A : vector<16xi1>
      %jit3A_135 = arith.constant 0 : i32
      %broadcast_in_dim3A_136 = vector.broadcast %jit3A_135 : i32 to vector<16xi32>
      %select_n3A_137 = arith.select %or3A, %iota3A, %broadcast_in_dim3A_136 : vector<16xi1>, vector<16xi32>
      %broadcast_in_dim3A_138 = arith.constant true
      %broadcast_in_dim3A_139 = vector.broadcast %broadcast_in_dim3A_138 : i1 to vector<16xi1>
      %masked_cummax3A = arith.constant -2147483648 : i32
      %masked_cummax3A_140 = vector.broadcast %masked_cummax3A : i32 to vector<16xi32>
      %masked_cummax3A_141 = arith.xori %select_n3A_137, %masked_cummax3A_140 : vector<16xi32>
      %masked_cummax3A_142 = tpu.scan <max>, %masked_cummax3A_141 masked %broadcast_in_dim3A_139 : vector<16xi32>, vector<16xi1> -> vector<16xi32>
      %masked_cummax3A_143 = arith.xori %masked_cummax3A_142, %masked_cummax3A_140 : vector<16xi32>
      %sub3A_144 = arith.subi %iota3A, %masked_cummax3A_143 : vector<16xi32>
      %gather3A_145 = tpu.vector_load_idx %arg9[%masked_sort3A_120] : memref<64xi32, #tpu.memory_space<vmem>>[vector<16xi32>], vector<16xi32>,
      %lt3A_146 = arith.constant 48 : i32
      %lt3A_147 = vector.broadcast %lt3A_146 : i32 to vector<16xi32>
      %lt3A_148 = arith.cmpi slt, %masked_sort3A_120, %lt3A_147 : vector<16xi32>
      %add3A_149 = arith.addi %gather3A_145, %sub3A_144 : vector<16xi32>
      tpu.vector_store_idx %arg8[%add3A_149], %gather3A masked %lt3A_148 : memref<16400xi32, #tpu.memory_space<vmem>>[vector<16xi32>], vector<16xi32>, vector<16xi1>
      tpu.vector_store_idx %arg9[%masked_sort3A_120], %broadcast_in_dim3A_6 masked %lt3A_148 {add = true} : memref<64xi32, #tpu.memory_space<vmem>>[vector<16xi32>], vector<16xi32>, vector<16xi1>
      %while3A_150 = arith.constant 0 : i32
      scf.yield %while3A_150 : i32
    }
    %while3A_77 = arith.constant 1 : i32
    %while3A_78 = scf.for %while3A_100 = %while3A_74 to %while3A_70 step %while3A_77 iter_args(%while3A_101 = %while3A_76) -> (i32)  : i32 {
      %mul3A_102 = arith.constant 16 : i32
      %mul3A_103 = arith.muli %while3A_100, %mul3A_102 : i32
      %get3A_104 = arith.index_cast %mul3A_103 : i32 to index
      %get3A_105 = tpu.vector_load %arg7[%get3A_104] {strides = array<i32>} : memref<16384xi32, #tpu.memory_space<vmem>>, vector<16xi32>,
      %mul3A_106 = arith.constant 16 : i32
      %mul3A_107 = arith.muli %while3A_100, %mul3A_106 : i32
      %add3A_108 = vector.broadcast %mul3A_107 : i32 to vector<16xi32>
      %add3A_109 = arith.addi %iota3A, %add3A_108 : vector<16xi32>
      %lt3A = vector.broadcast %scan3A_14 : i32 to vector<16xi32>
      %lt3A_110 = arith.cmpi slt, %add3A_109, %lt3A : vector<16xi32>
      %shift_right_logical3A = arith.constant 24 : i32
      %shift_right_logical3A_111 = vector.broadcast %shift_right_logical3A : i32 to vector<16xi32>
      %shift_right_logical3A_112 = arith.shrui %get3A_105, %shift_right_logical3A_111 : vector<16xi32>
      %jit3A = arith.constant 48 : i32
      %broadcast_in_dim3A_113 = vector.broadcast %jit3A : i32 to vector<16xi32>
      %select_n3A = arith.select %lt3A_110, %shift_right_logical3A_112, %broadcast_in_dim3A_113 : vector<16xi1>, vector<16xi32>
      %masked_sort3A = arith.constant dense<true> : vector<16xi1>
      %masked_sort3A_114 = arith.constant -2147483648 : i32
      %masked_sort3A_115 = vector.broadcast %masked_sort3A_114 : i32 to vector<16xi32>
      %masked_sort3A_116 = arith.xori %select_n3A, %masked_sort3A_115 : vector<16xi32>
      %masked_sort3A_117, %masked_sort3A_118, %masked_sort3A_119 = tpu.sort %masked_sort3A_116, %iota3A masked %masked_sort3A : (vector<16xi32>, vector<16xi32>, vector<16xi1>) -> (vector<16xi1>, vector<16xi32>, vector<16xi32>)
      %masked_sort3A_120 = arith.xori %masked_sort3A_118, %masked_sort3A_115 : vector<16xi32>
      %mul3A_121 = arith.constant 16 : i32
      %mul3A_122 = arith.muli %while3A_100, %mul3A_121 : i32
      %add3A_123 = vector.broadcast %mul3A_122 : i32 to vector<16xi32>
      %add3A_124 = arith.addi %add3A_123, %masked_sort3A_119 : vector<16xi32>
      %gather3A = tpu.vector_load_idx %arg7[%add3A_124] : memref<16384xi32, #tpu.memory_space<vmem>>[vector<16xi32>], vector<16xi32>,
      %swap3A_125 = arith.constant 0 : index
      %swap3A_126 = tpu.vector_load %arg11[%swap3A_125] {strides = array<i32>} : memref<16xi32, #tpu.memory_space<vmem>>, vector<16xi32>,
      tpu.vector_store %arg11[%swap3A_125], %masked_sort3A_120 {strides = array<i32>} : memref<16xi32, #tpu.memory_space<vmem>>, vector<16xi32>,
      %sub3A_127 = arith.constant 1 : i32
      %sub3A_128 = vector.broadcast %sub3A_127 : i32 to vector<16xi32>
      %sub3A_129 = arith.subi %iota3A, %sub3A_128 : vector<16xi32>
      %max3A = arith.constant 0 : i32
      %max3A_130 = vector.broadcast %max3A : i32 to vector<16xi32>
      %max3A_131 = arith.maxsi %sub3A_129, %max3A_130 : vector<16xi32>
      %gather3A_132 = tpu.vector_load_idx %arg11[%max3A_131] : memref<16xi32, #tpu.memory_space<vmem>>[vector<16xi32>], vector<16xi32>,
      %eq3A = arith.constant 0 : i32
      %eq3A_133 = vector.broadcast %eq3A : i32 to vector<16xi32>
      %eq3A_134 = arith.cmpi eq, %iota3A, %eq3A_133 : vector<16xi32>
      %ne3A = arith.cmpi ne, %gather3A_132, %masked_sort3A_120 : vector<16xi32>
      %or3A = arith.ori %eq3A_134, %ne3A : vector<16xi1>
      %jit3A_135 = arith.constant 0 : i32
      %broadcast_in_dim3A_136 = vector.broadcast %jit3A_135 : i32 to vector<16xi32>
      %select_n3A_137 = arith.select %or3A, %iota3A, %broadcast_in_dim3A_136 : vector<16xi1>, vector<16xi32>
      %broadcast_in_dim3A_138 = arith.constant true
      %broadcast_in_dim3A_139 = vector.broadcast %broadcast_in_dim3A_138 : i1 to vector<16xi1>
      %masked_cummax3A = arith.constant -2147483648 : i32
      %masked_cummax3A_140 = vector.broadcast %masked_cummax3A : i32 to vector<16xi32>
      %masked_cummax3A_141 = arith.xori %select_n3A_137, %masked_cummax3A_140 : vector<16xi32>
      %masked_cummax3A_142 = tpu.scan <max>, %masked_cummax3A_141 masked %broadcast_in_dim3A_139 : vector<16xi32>, vector<16xi1> -> vector<16xi32>
      %masked_cummax3A_143 = arith.xori %masked_cummax3A_142, %masked_cummax3A_140 : vector<16xi32>
      %sub3A_144 = arith.subi %iota3A, %masked_cummax3A_143 : vector<16xi32>
      %gather3A_145 = tpu.vector_load_idx %arg9[%masked_sort3A_120] : memref<64xi32, #tpu.memory_space<vmem>>[vector<16xi32>], vector<16xi32>,
      %lt3A_146 = arith.constant 48 : i32
      %lt3A_147 = vector.broadcast %lt3A_146 : i32 to vector<16xi32>
      %lt3A_148 = arith.cmpi slt, %masked_sort3A_120, %lt3A_147 : vector<16xi32>
      %add3A_149 = arith.addi %gather3A_145, %sub3A_144 : vector<16xi32>
      tpu.vector_store_idx %arg8[%add3A_149], %gather3A masked %lt3A_148 : memref<16400xi32, #tpu.memory_space<vmem>>[vector<16xi32>], vector<16xi32>, vector<16xi1>
      tpu.vector_store_idx %arg9[%masked_sort3A_120], %broadcast_in_dim3A_6 masked %lt3A_148 {add = true} : memref<64xi32, #tpu.memory_space<vmem>>[vector<16xi32>], vector<16xi32>, vector<16xi1>
      %while3A_150 = arith.constant 0 : i32
      scf.yield %while3A_150 : i32
    }
    "tpu.trace_stop"() : () -> ()
    %swap3A_79 = arith.constant 0 : index
    %swap3A_80 = tpu.vector_load %arg14[%swap3A_79] {strides = array<i32>} : memref<64xi32, #tpu.memory_space<vmem>>, vector<16xi32>,
    tpu.vector_store %arg14[%swap3A_79], %broadcast_in_dim3A_9 {strides = array<i32>} : memref<64xi32, #tpu.memory_space<vmem>>, vector<16xi32>,
    %swap3A_81 = arith.constant 16 : index
    %swap3A_82 = tpu.vector_load %arg14[%swap3A_81] {strides = array<i32>} : memref<64xi32, #tpu.memory_space<vmem>>, vector<16xi32>,
    tpu.vector_store %arg14[%swap3A_81], %broadcast_in_dim3A_9 {strides = array<i32>} : memref<64xi32, #tpu.memory_space<vmem>>, vector<16xi32>,
    %swap3A_83 = arith.constant 32 : index
    %swap3A_84 = tpu.vector_load %arg14[%swap3A_83] {strides = array<i32>} : memref<64xi32, #tpu.memory_space<vmem>>, vector<16xi32>,
    tpu.vector_store %arg14[%swap3A_83], %broadcast_in_dim3A_9 {strides = array<i32>} : memref<64xi32, #tpu.memory_space<vmem>>, vector<16xi32>,
    %swap3A_85 = arith.constant 48 : index
    %swap3A_86 = tpu.vector_load %arg14[%swap3A_85] {strides = array<i32>} : memref<64xi32, #tpu.memory_space<vmem>>, vector<16xi32>,
    tpu.vector_store %arg14[%swap3A_85], %broadcast_in_dim3A_9 {strides = array<i32>} : memref<64xi32, #tpu.memory_space<vmem>>, vector<16xi32>,
    %while3A_87 = arith.constant 0 : i32
    "tpu.trace_start"() <{level = 10 : i32, message = "phaseC_stream"}> : () -> ()
    %while3A_88 = arith.subi %min3A_5, %mul3A_2 : i32
    %while3A_89 = arith.addi %mul3A_2, %while3A_88 : i32
    %while3A_90 = arith.constant 1 : i32
    %while3A_91 = arith.divsi %while3A_88, %while3A_90 : i32
    %while3A_92 = arith.muli %while3A_91, %while3A_90 : i32
    %while3A_93 = arith.addi %mul3A_2, %while3A_92 : i32
    %while3A_94 = arith.constant 1 : i32
    %while3A_95 = scf.for %while3A_100 = %mul3A_2 to %while3A_93 step %while3A_94 iter_args(%while3A_101 = %while3A_87) -> (i32)  : i32 {
      %eq3A = arith.constant 976 : i32
      %eq3A_102 = arith.cmpi eq, %while3A_100, %eq3A : i32
      %convert_element_type3A_103 = arith.extui %eq3A_102 : i1 to i32
      %cond3A_104 = arith.constant 0 : i32
      %cond3A_105 = arith.cmpi ne, %convert_element_type3A_103, %cond3A_104 : i32
      scf.if %cond3A_105 {
        "tpu.region"() ({
          %run_scoped3A = tpu.sem_alloc : memref<!tpu.dma_semaphore, #tpu.memory_space<semaphore_mem>>
          tpu.enqueue_dma source(%arg4 : memref<64x1024xf32, #tpu.memory_space<hbm>>) target(%arg12 : memref<64x1024xf32, #tpu.memory_space<vmem>>) target_semaphore(%run_scoped3A : memref<!tpu.dma_semaphore, #tpu.memory_space<semaphore_mem>>)
          tpu.wait_dma2 semaphore(%run_scoped3A : memref<!tpu.dma_semaphore, #tpu.memory_space<semaphore_mem>>) src(%arg4 : memref<64x1024xf32, #tpu.memory_space<hbm>>) dst(%arg12 : memref<64x1024xf32, #tpu.memory_space<vmem>>)
          tpu.yield
        }) : () -> ()
      } else {
      }
      %ne3A = arith.constant 976 : i32
      %ne3A_106 = arith.cmpi ne, %while3A_100, %ne3A : i32
      %convert_element_type3A_107 = arith.extui %ne3A_106 : i1 to i32
      %cond3A_108 = arith.constant 0 : i32
      %cond3A_109 = arith.cmpi ne, %convert_element_type3A_107, %cond3A_108 : i32
      scf.if %cond3A_109 {
        %mul3A_152 = arith.constant 1024 : i32
        %mul3A_153 = arith.muli %while3A_100, %mul3A_152 : i32
        "tpu.region"() ({
          %run_scoped3A = tpu.sem_alloc : memref<!tpu.dma_semaphore, #tpu.memory_space<semaphore_mem>>
          %dma_start3A = arith.constant 0 : i32
          %dma_start3A_154 = tpu.memref_slice %arg3[%dma_start3A, %mul3A_153] : memref<64x1000000xf32, #tpu.memory_space<hbm>> -> memref<64x1024xf32, #tpu.memory_space<hbm>>
          %dma_start3A_155 = arith.constant 0 : i32
          %dma_start3A_156 = tpu.memref_slice %arg3[%dma_start3A_155, %mul3A_153] : memref<64x1000000xf32, #tpu.memory_space<hbm>> -> memref<64x1024xf32, #tpu.memory_space<hbm>>
          tpu.enqueue_dma source(%dma_start3A_156 : memref<64x1024xf32, #tpu.memory_space<hbm>>) target(%arg12 : memref<64x1024xf32, #tpu.memory_space<vmem>>) target_semaphore(%run_scoped3A : memref<!tpu.dma_semaphore, #tpu.memory_space<semaphore_mem>>)
          %dma_wait3A = arith.constant 0 : i32
          %dma_wait3A_157 = tpu.memref_slice %arg3[%dma_wait3A, %mul3A_153] : memref<64x1000000xf32, #tpu.memory_space<hbm>> -> memref<64x1024xf32, #tpu.memory_space<hbm>>
          %dma_wait3A_158 = arith.constant 0 : i32
          %dma_wait3A_159 = tpu.memref_slice %arg3[%dma_wait3A_158, %mul3A_153] : memref<64x1000000xf32, #tpu.memory_space<hbm>> -> memref<64x1024xf32, #tpu.memory_space<hbm>>
          tpu.wait_dma2 semaphore(%run_scoped3A : memref<!tpu.dma_semaphore, #tpu.memory_space<semaphore_mem>>) src(%dma_wait3A_159 : memref<64x1024xf32, #tpu.memory_space<hbm>>) dst(%arg12 : memref<64x1024xf32, #tpu.memory_space<vmem>>)
          tpu.yield
        }) : () -> ()
      } else {
      }
      %sub3A_110 = arith.subi %while3A_100, %mul3A_2 : i32
      %and3A = arith.constant 15 : i32
      %and3A_111 = arith.andi %sub3A_110, %and3A : i32
      %eq3A_112 = vector.broadcast %and3A_111 : i32 to vector<16xi32>
      %eq3A_113 = arith.cmpi eq, %iota3A, %eq3A_112 : vector<16xi32>
      %shift_right_arithmetic3A = arith.constant 4 : i32
      %shift_right_arithmetic3A_114 = arith.shrsi %sub3A_110, %shift_right_arithmetic3A : i32
      %mul3A_115 = arith.constant 16 : i32
      %mul3A_116 = arith.muli %shift_right_arithmetic3A_114, %mul3A_115 : i32
      %get3A_117 = arith.index_cast %mul3A_116 : i32 to index
      %get3A_118 = tpu.vector_load %arg10[%get3A_117] {strides = array<i32>} : memref<64xi32, #tpu.memory_space<vmem>>, vector<16xi32>,
      %shift_right_arithmetic3A_119 = arith.constant 4 : i32
      %shift_right_arithmetic3A_120 = arith.shrsi %sub3A_110, %shift_right_arithmetic3A_119 : i32
      %mul3A_121 = arith.constant 16 : i32
      %mul3A_122 = arith.muli %shift_right_arithmetic3A_120, %mul3A_121 : i32
      %get3A_123 = arith.index_cast %mul3A_122 : i32 to index
      %get3A_124 = tpu.vector_load %arg9[%get3A_123] {strides = array<i32>} : memref<64xi32, #tpu.memory_space<vmem>>, vector<16xi32>,
      %jit3A = arith.constant 0 : i32
      %broadcast_in_dim3A_125 = vector.broadcast %jit3A : i32 to vector<16xi32>
      %select_n3A = arith.select %eq3A_113, %get3A_118, %broadcast_in_dim3A_125 : vector<16xi1>, vector<16xi32>
      %reduce_sum3A_126 = arith.constant true
      %reduce_sum3A_127 = vector.broadcast %reduce_sum3A_126 : i1 to vector<16xi1>
      %reduce_sum3A_128 = tpu.scan <sum>, %select_n3A masked %reduce_sum3A_127 : vector<16xi32>, vector<16xi1> -> vector<16xi32>
      %reduce_sum3A_129 = vector.extract %reduce_sum3A_128[15] : i32 from vector<16xi32>
      %jit3A_130 = arith.constant 0 : i32
      %broadcast_in_dim3A_131 = vector.broadcast %jit3A_130 : i32 to vector<16xi32>
      %select_n3A_132 = arith.select %eq3A_113, %get3A_124, %broadcast_in_dim3A_131 : vector<16xi1>, vector<16xi32>
      %reduce_sum3A_133 = arith.constant true
      %reduce_sum3A_134 = vector.broadcast %reduce_sum3A_133 : i1 to vector<16xi1>
      %reduce_sum3A_135 = tpu.scan <sum>, %select_n3A_132 masked %reduce_sum3A_134 : vector<16xi32>, vector<16xi1> -> vector<16xi32>
      %reduce_sum3A_136 = vector.extract %reduce_sum3A_135[15] : i32 from vector<16xi32>
      %sub3A_137 = arith.subi %reduce_sum3A_136, %reduce_sum3A_129 : i32
      %add3A_138 = arith.constant 15 : i32
      %add3A_139 = arith.addi %sub3A_137, %add3A_138 : i32
      %shift_right_logical3A = arith.constant 4 : i32
      %shift_right_logical3A_140 = arith.shrui %add3A_139, %shift_right_logical3A : i32
      %while3A_141 = arith.constant 0 : i32
      %while3A_142 = arith.subi %shift_right_logical3A_140, %while3A_141 : i32
      %while3A_143 = arith.addi %while3A_141, %while3A_142 : i32
      %while3A_144 = arith.constant 1 : i32
      %while3A_145 = arith.divsi %while3A_142, %while3A_144 : i32
      %while3A_146 = arith.muli %while3A_145, %while3A_144 : i32
      %while3A_147 = arith.addi %while3A_141, %while3A_146 : i32
      %while3A_148 = arith.constant 1 : i32
      %while3A_149 = scf.for %while3A_152 = %while3A_141 to %while3A_147 step %while3A_148 iter_args(%while3A_153 = %while3A_101) -> (i32)  : i32 {
        %mul3A_154 = arith.constant 16 : i32
        %mul3A_155 = arith.muli %while3A_152, %mul3A_154 : i32
        %add3A_156 = arith.addi %reduce_sum3A_129, %mul3A_155 : i32
        %get3A_157 = arith.index_cast %add3A_156 : i32 to index
        %get3A_158 = tpu.vector_load %arg8[%get3A_157] {strides = array<i32>} : memref<16400xi32, #tpu.memory_space<vmem>>, vector<16xi32>,
        %add3A_159 = vector.broadcast %add3A_156 : i32 to vector<16xi32>
        %add3A_160 = arith.addi %add3A_159, %iota3A : vector<16xi32>
        %lt3A = vector.broadcast %reduce_sum3A_136 : i32 to vector<16xi32>
        %lt3A_161 = arith.cmpi slt, %add3A_160, %lt3A : vector<16xi32>
        %jit3A_162 = arith.constant 1 : i32
        %jit3A_163 = arith.constant 0 : i32
        %broadcast_in_dim3A_164 = vector.broadcast %jit3A_162 : i32 to vector<16xi32>
        %broadcast_in_dim3A_165 = vector.broadcast %jit3A_163 : i32 to vector<16xi32>
        %select_n3A_166 = arith.select %lt3A_161, %broadcast_in_dim3A_164, %broadcast_in_dim3A_165 : vector<16xi1>, vector<16xi32>
        %reduce_sum3A_167 = arith.constant true
        %reduce_sum3A_168 = vector.broadcast %reduce_sum3A_167 : i1 to vector<16xi1>
        %reduce_sum3A_169 = tpu.scan <sum>, %select_n3A_166 masked %reduce_sum3A_168 : vector<16xi32>, vector<16xi1> -> vector<16xi32>
        %reduce_sum3A_170 = vector.extract %reduce_sum3A_169[15] : i32 from vector<16xi32>
        %shift_right_logical3A_171 = arith.constant 14 : i32
        %shift_right_logical3A_172 = vector.broadcast %shift_right_logical3A_171 : i32 to vector<16xi32>
        %shift_right_logical3A_173 = arith.shrui %get3A_158, %shift_right_logical3A_172 : vector<16xi32>
        %and3A_174 = arith.constant 1023 : i32
        %and3A_175 = vector.broadcast %and3A_174 : i32 to vector<16xi32>
        %and3A_176 = arith.andi %shift_right_logical3A_173, %and3A_175 : vector<16xi32>
        %jit3A_177 = arith.constant 1 : i32
        %jit3A_178 = arith.constant 0 : i32
        %broadcast_in_dim3A_179 = vector.broadcast %jit3A_177 : i32 to vector<16xi32>
        %broadcast_in_dim3A_180 = vector.broadcast %jit3A_178 : i32 to vector<16xi32>
        %select_n3A_181 = arith.select %lt3A_161, %broadcast_in_dim3A_179, %broadcast_in_dim3A_180 : vector<16xi1>, vector<16xi32>
        %broadcast_in_dim3A_182 = arith.constant true
        %broadcast_in_dim3A_183 = vector.broadcast %broadcast_in_dim3A_182 : i1 to vector<16xi1>
        %masked_cumsum3A_184 = tpu.scan <sum>, %select_n3A_181 masked %broadcast_in_dim3A_183 : vector<16xi32>, vector<16xi1> -> vector<16xi32>
        %add3A_185 = vector.broadcast %while3A_153 : i32 to vector<16xi32>
        %add3A_186 = arith.addi %add3A_185, %masked_cumsum3A_184 : vector<16xi32>
        %sub3A_187 = arith.constant 1 : i32
        %sub3A_188 = vector.broadcast %sub3A_187 : i32 to vector<16xi32>
        %sub3A_189 = arith.subi %add3A_186, %sub3A_188 : vector<16xi32>
        %broadcast_in_dim3A_190 = arith.constant 0 : i32
        %broadcast_in_dim3A_191 = vector.broadcast %broadcast_in_dim3A_190 : i32 to vector<16xi32>
        %scan3A_192 = arith.constant 0 : i32
        %scan3A_193 = arith.constant 64 : i32
        %scan3A_194 = arith.addi %scan3A_192, %scan3A_193 : i32
        %scan3A_195 = arith.constant 8 : i32
        %scan3A_196 = scf.for %scan3A_211 = %scan3A_192 to %scan3A_194 step %scan3A_195 iter_args(%scan3A_212 = %broadcast_in_dim3A_191) -> (vector<16xi32>)  : i32 {
          %gather3A = tpu.vector_load_idx %arg12[%scan3A_212, %and3A_176] : memref<64x1024xf32, #tpu.memory_space<vmem>>[vector<16xi32>, vector<16xi32>], vector<16xf32>,
          tpu.vector_store_idx %arg13[%sub3A_189, %scan3A_212], %gather3A masked %lt3A_161 : memref<64x128xf32, #tpu.memory_space<vmem>>[vector<16xi32>, vector<16xi32>], vector<16xf32>, vector<16xi1>
          %add3A_213 = arith.constant 1 : i32
          %add3A_214 = vector.broadcast %add3A_213 : i32 to vector<16xi32>
          %add3A_215 = arith.addi %scan3A_212, %add3A_214 : vector<16xi32>
          %scan3A_216 = arith.constant 1 : i32
          %scan3A_217 = arith.addi %scan3A_211, %scan3A_216 : i32
          %gather3A_218 = tpu.vector_load_idx %arg12[%add3A_215, %and3A_176] : memref<64x1024xf32, #tpu.memory_space<vmem>>[vector<16xi32>, vector<16xi32>], vector<16xf32>,
          tpu.vector_store_idx %arg13[%sub3A_189, %add3A_215], %gather3A_218 masked %lt3A_161 : memref<64x128xf32, #tpu.memory_space<vmem>>[vector<16xi32>, vector<16xi32>], vector<16xf32>, vector<16xi1>
          %add3A_219 = arith.constant 1 : i32
          %add3A_220 = vector.broadcast %add3A_219 : i32 to vector<16xi32>
          %add3A_221 = arith.addi %add3A_215, %add3A_220 : vector<16xi32>
          %scan3A_222 = arith.constant 2 : i32
          %scan3A_223 = arith.addi %scan3A_211, %scan3A_222 : i32
          %gather3A_224 = tpu.vector_load_idx %arg12[%add3A_221, %and3A_176] : memref<64x1024xf32, #tpu.memory_space<vmem>>[vector<16xi32>, vector<16xi32>], vector<16xf32>,
          tpu.vector_store_idx %arg13[%sub3A_189, %add3A_221], %gather3A_224 masked %lt3A_161 : memref<64x128xf32, #tpu.memory_space<vmem>>[vector<16xi32>, vector<16xi32>], vector<16xf32>, vector<16xi1>
          %add3A_225 = arith.constant 1 : i32
          %add3A_226 = vector.broadcast %add3A_225 : i32 to vector<16xi32>
          %add3A_227 = arith.addi %add3A_221, %add3A_226 : vector<16xi32>
          %scan3A_228 = arith.constant 3 : i32
          %scan3A_229 = arith.addi %scan3A_211, %scan3A_228 : i32
          %gather3A_230 = tpu.vector_load_idx %arg12[%add3A_227, %and3A_176] : memref<64x1024xf32, #tpu.memory_space<vmem>>[vector<16xi32>, vector<16xi32>], vector<16xf32>,
          tpu.vector_store_idx %arg13[%sub3A_189, %add3A_227], %gather3A_230 masked %lt3A_161 : memref<64x128xf32, #tpu.memory_space<vmem>>[vector<16xi32>, vector<16xi32>], vector<16xf32>, vector<16xi1>
          %add3A_231 = arith.constant 1 : i32
          %add3A_232 = vector.broadcast %add3A_231 : i32 to vector<16xi32>
          %add3A_233 = arith.addi %add3A_227, %add3A_232 : vector<16xi32>
          %scan3A_234 = arith.constant 4 : i32
          %scan3A_235 = arith.addi %scan3A_211, %scan3A_234 : i32
          %gather3A_236 = tpu.vector_load_idx %arg12[%add3A_233, %and3A_176] : memref<64x1024xf32, #tpu.memory_space<vmem>>[vector<16xi32>, vector<16xi32>], vector<16xf32>,
          tpu.vector_store_idx %arg13[%sub3A_189, %add3A_233], %gather3A_236 masked %lt3A_161 : memref<64x128xf32, #tpu.memory_space<vmem>>[vector<16xi32>, vector<16xi32>], vector<16xf32>, vector<16xi1>
          %add3A_237 = arith.constant 1 : i32
          %add3A_238 = vector.broadcast %add3A_237 : i32 to vector<16xi32>
          %add3A_239 = arith.addi %add3A_233, %add3A_238 : vector<16xi32>
          %scan3A_240 = arith.constant 5 : i32
          %scan3A_241 = arith.addi %scan3A_211, %scan3A_240 : i32
          %gather3A_242 = tpu.vector_load_idx %arg12[%add3A_239, %and3A_176] : memref<64x1024xf32, #tpu.memory_space<vmem>>[vector<16xi32>, vector<16xi32>], vector<16xf32>,
          tpu.vector_store_idx %arg13[%sub3A_189, %add3A_239], %gather3A_242 masked %lt3A_161 : memref<64x128xf32, #tpu.memory_space<vmem>>[vector<16xi32>, vector<16xi32>], vector<16xf32>, vector<16xi1>
          %add3A_243 = arith.constant 1 : i32
          %add3A_244 = vector.broadcast %add3A_243 : i32 to vector<16xi32>
          %add3A_245 = arith.addi %add3A_239, %add3A_244 : vector<16xi32>
          %scan3A_246 = arith.constant 6 : i32
          %scan3A_247 = arith.addi %scan3A_211, %scan3A_246 : i32
          %gather3A_248 = tpu.vector_load_idx %arg12[%add3A_245, %and3A_176] : memref<64x1024xf32, #tpu.memory_space<vmem>>[vector<16xi32>, vector<16xi32>], vector<16xf32>,
          tpu.vector_store_idx %arg13[%sub3A_189, %add3A_245], %gather3A_248 masked %lt3A_161 : memref<64x128xf32, #tpu.memory_space<vmem>>[vector<16xi32>, vector<16xi32>], vector<16xf32>, vector<16xi1>
          %add3A_249 = arith.constant 1 : i32
          %add3A_250 = vector.broadcast %add3A_249 : i32 to vector<16xi32>
          %add3A_251 = arith.addi %add3A_245, %add3A_250 : vector<16xi32>
          %scan3A_252 = arith.constant 7 : i32
          %scan3A_253 = arith.addi %scan3A_211, %scan3A_252 : i32
          %gather3A_254 = tpu.vector_load_idx %arg12[%add3A_251, %and3A_176] : memref<64x1024xf32, #tpu.memory_space<vmem>>[vector<16xi32>, vector<16xi32>], vector<16xf32>,
          tpu.vector_store_idx %arg13[%sub3A_189, %add3A_251], %gather3A_254 masked %lt3A_161 : memref<64x128xf32, #tpu.memory_space<vmem>>[vector<16xi32>, vector<16xi32>], vector<16xf32>, vector<16xi1>
          %add3A_255 = arith.constant 1 : i32
          %add3A_256 = vector.broadcast %add3A_255 : i32 to vector<16xi32>
          %add3A_257 = arith.addi %add3A_251, %add3A_256 : vector<16xi32>
          scf.yield %add3A_257 : vector<16xi32>
        }
        %scan3A_197 = arith.constant 64 : i32
        %and3A_198 = arith.constant 16383 : i32
        %and3A_199 = vector.broadcast %and3A_198 : i32 to vector<16xi32>
        %and3A_200 = arith.andi %get3A_158, %and3A_199 : vector<16xi32>
        tpu.vector_store_idx %arg14[%sub3A_189], %and3A_200 masked %lt3A_161 : memref<64xi32, #tpu.memory_space<vmem>>[vector<16xi32>], vector<16xi32>, vector<16xi1>
        %add3A_201 = arith.addi %while3A_153, %reduce_sum3A_170 : i32
        %gt3A_202 = arith.constant 48 : i32
        %gt3A_203 = arith.cmpi sgt, %add3A_201, %gt3A_202 : i32
        %convert_element_type3A_204 = arith.extui %gt3A_203 : i1 to i32
        %cond3A_205 = arith.constant 0 : i32
        %cond3A_206 = arith.cmpi ne, %convert_element_type3A_204, %cond3A_205 : i32
        scf.if %cond3A_206 {
          %dma_start3A = arith.constant 0 : i32
          %dma_start3A_211 = arith.constant 0 : i32
          %dma_start3A_212 = tpu.memref_slice %arg5[%dma_start3A, %dma_start3A_211] : memref<16424x128xf32, #tpu.memory_space<hbm>> -> memref<16424x128xf32, #tpu.memory_space<hbm>>
          tpu.enqueue_indirect_dma source(%arg13 : memref<64x128xf32, #tpu.memory_space<vmem>>) target(%dma_start3A_212 : memref<16424x128xf32, #tpu.memory_space<hbm>>) offsets(%arg14 : memref<64xi32, #tpu.memory_space<vmem>>) semaphore(%arg15 : memref<!tpu.dma_semaphore, #tpu.memory_space<semaphore_mem>>)
          %dma_wait3A = arith.constant 0 : i32
          %dma_wait3A_213 = arith.constant 0 : i32
          %dma_wait3A_214 = tpu.memref_slice %arg5[%dma_wait3A, %dma_wait3A_213] : memref<16424x128xf32, #tpu.memory_space<hbm>> -> memref<16424x128xf32, #tpu.memory_space<hbm>>
          tpu.wait_indirect_dma semaphore(%arg15 : memref<!tpu.dma_semaphore, #tpu.memory_space<semaphore_mem>>) src(%arg13 : memref<64x128xf32, #tpu.memory_space<vmem>>) dst(%dma_wait3A_214 : memref<16424x128xf32, #tpu.memory_space<hbm>>)
          %swap3A_215 = arith.constant 0 : index
          %swap3A_216 = tpu.vector_load %arg14[%swap3A_215] {strides = array<i32>} : memref<64xi32, #tpu.memory_space<vmem>>, vector<16xi32>,
          tpu.vector_store %arg14[%swap3A_215], %broadcast_in_dim3A_9 {strides = array<i32>} : memref<64xi32, #tpu.memory_space<vmem>>, vector<16xi32>,
          %swap3A_217 = arith.constant 16 : index
          %swap3A_218 = tpu.vector_load %arg14[%swap3A_217] {strides = array<i32>} : memref<64xi32, #tpu.memory_space<vmem>>, vector<16xi32>,
          tpu.vector_store %arg14[%swap3A_217], %broadcast_in_dim3A_9 {strides = array<i32>} : memref<64xi32, #tpu.memory_space<vmem>>, vector<16xi32>,
          %swap3A_219 = arith.constant 32 : index
          %swap3A_220 = tpu.vector_load %arg14[%swap3A_219] {strides = array<i32>} : memref<64xi32, #tpu.memory_space<vmem>>, vector<16xi32>,
          tpu.vector_store %arg14[%swap3A_219], %broadcast_in_dim3A_9 {strides = array<i32>} : memref<64xi32, #tpu.memory_space<vmem>>, vector<16xi32>,
          %swap3A_221 = arith.constant 48 : index
          %swap3A_222 = tpu.vector_load %arg14[%swap3A_221] {strides = array<i32>} : memref<64xi32, #tpu.memory_space<vmem>>, vector<16xi32>,
          tpu.vector_store %arg14[%swap3A_221], %broadcast_in_dim3A_9 {strides = array<i32>} : memref<64xi32, #tpu.memory_space<vmem>>, vector<16xi32>,
        } else {
        }
        %gt3A_207 = arith.constant 48 : i32
        %gt3A_208 = arith.cmpi sgt, %add3A_201, %gt3A_207 : i32
        %jit3A_209 = arith.constant 0 : i32
        %select_n3A_210 = arith.select %gt3A_208, %jit3A_209, %add3A_201 : i32
        scf.yield %select_n3A_210 : i32
      }
      %while3A_150 = arith.constant 1 : i32
      %while3A_151 = scf.for %while3A_152 = %while3A_147 to %while3A_143 step %while3A_150 iter_args(%while3A_153 = %while3A_149) -> (i32)  : i32 {
        %mul3A_154 = arith.constant 16 : i32
        %mul3A_155 = arith.muli %while3A_152, %mul3A_154 : i32
        %add3A_156 = arith.addi %reduce_sum3A_129, %mul3A_155 : i32
        %get3A_157 = arith.index_cast %add3A_156 : i32 to index
        %get3A_158 = tpu.vector_load %arg8[%get3A_157] {strides = array<i32>} : memref<16400xi32, #tpu.memory_space<vmem>>, vector<16xi32>,
        %add3A_159 = vector.broadcast %add3A_156 : i32 to vector<16xi32>
        %add3A_160 = arith.addi %add3A_159, %iota3A : vector<16xi32>
        %lt3A = vector.broadcast %reduce_sum3A_136 : i32 to vector<16xi32>
        %lt3A_161 = arith.cmpi slt, %add3A_160, %lt3A : vector<16xi32>
        %jit3A_162 = arith.constant 1 : i32
        %jit3A_163 = arith.constant 0 : i32
        %broadcast_in_dim3A_164 = vector.broadcast %jit3A_162 : i32 to vector<16xi32>
        %broadcast_in_dim3A_165 = vector.broadcast %jit3A_163 : i32 to vector<16xi32>
        %select_n3A_166 = arith.select %lt3A_161, %broadcast_in_dim3A_164, %broadcast_in_dim3A_165 : vector<16xi1>, vector<16xi32>
        %reduce_sum3A_167 = arith.constant true
        %reduce_sum3A_168 = vector.broadcast %reduce_sum3A_167 : i1 to vector<16xi1>
        %reduce_sum3A_169 = tpu.scan <sum>, %select_n3A_166 masked %reduce_sum3A_168 : vector<16xi32>, vector<16xi1> -> vector<16xi32>
        %reduce_sum3A_170 = vector.extract %reduce_sum3A_169[15] : i32 from vector<16xi32>
        %shift_right_logical3A_171 = arith.constant 14 : i32
        %shift_right_logical3A_172 = vector.broadcast %shift_right_logical3A_171 : i32 to vector<16xi32>
        %shift_right_logical3A_173 = arith.shrui %get3A_158, %shift_right_logical3A_172 : vector<16xi32>
        %and3A_174 = arith.constant 1023 : i32
        %and3A_175 = vector.broadcast %and3A_174 : i32 to vector<16xi32>
        %and3A_176 = arith.andi %shift_right_logical3A_173, %and3A_175 : vector<16xi32>
        %jit3A_177 = arith.constant 1 : i32
        %jit3A_178 = arith.constant 0 : i32
        %broadcast_in_dim3A_179 = vector.broadcast %jit3A_177 : i32 to vector<16xi32>
        %broadcast_in_dim3A_180 = vector.broadcast %jit3A_178 : i32 to vector<16xi32>
        %select_n3A_181 = arith.select %lt3A_161, %broadcast_in_dim3A_179, %broadcast_in_dim3A_180 : vector<16xi1>, vector<16xi32>
        %broadcast_in_dim3A_182 = arith.constant true
        %broadcast_in_dim3A_183 = vector.broadcast %broadcast_in_dim3A_182 : i1 to vector<16xi1>
        %masked_cumsum3A_184 = tpu.scan <sum>, %select_n3A_181 masked %broadcast_in_dim3A_183 : vector<16xi32>, vector<16xi1> -> vector<16xi32>
        %add3A_185 = vector.broadcast %while3A_153 : i32 to vector<16xi32>
        %add3A_186 = arith.addi %add3A_185, %masked_cumsum3A_184 : vector<16xi32>
        %sub3A_187 = arith.constant 1 : i32
        %sub3A_188 = vector.broadcast %sub3A_187 : i32 to vector<16xi32>
        %sub3A_189 = arith.subi %add3A_186, %sub3A_188 : vector<16xi32>
        %broadcast_in_dim3A_190 = arith.constant 0 : i32
        %broadcast_in_dim3A_191 = vector.broadcast %broadcast_in_dim3A_190 : i32 to vector<16xi32>
        %scan3A_192 = arith.constant 0 : i32
        %scan3A_193 = arith.constant 64 : i32
        %scan3A_194 = arith.addi %scan3A_192, %scan3A_193 : i32
        %scan3A_195 = arith.constant 8 : i32
        %scan3A_196 = scf.for %scan3A_211 = %scan3A_192 to %scan3A_194 step %scan3A_195 iter_args(%scan3A_212 = %broadcast_in_dim3A_191) -> (vector<16xi32>)  : i32 {
          %gather3A = tpu.vector_load_idx %arg12[%scan3A_212, %and3A_176] : memref<64x1024xf32, #tpu.memory_space<vmem>>[vector<16xi32>, vector<16xi32>], vector<16xf32>,
          tpu.vector_store_idx %arg13[%sub3A_189, %scan3A_212], %gather3A masked %lt3A_161 : memref<64x128xf32, #tpu.memory_space<vmem>>[vector<16xi32>, vector<16xi32>], vector<16xf32>, vector<16xi1>
          %add3A_213 = arith.constant 1 : i32
          %add3A_214 = vector.broadcast %add3A_213 : i32 to vector<16xi32>
          %add3A_215 = arith.addi %scan3A_212, %add3A_214 : vector<16xi32>
          %scan3A_216 = arith.constant 1 : i32
          %scan3A_217 = arith.addi %scan3A_211, %scan3A_216 : i32
          %gather3A_218 = tpu.vector_load_idx %arg12[%add3A_215, %and3A_176] : memref<64x1024xf32, #tpu.memory_space<vmem>>[vector<16xi32>, vector<16xi32>], vector<16xf32>,
          tpu.vector_store_idx %arg13[%sub3A_189, %add3A_215], %gather3A_218 masked %lt3A_161 : memref<64x128xf32, #tpu.memory_space<vmem>>[vector<16xi32>, vector<16xi32>], vector<16xf32>, vector<16xi1>
          %add3A_219 = arith.constant 1 : i32
          %add3A_220 = vector.broadcast %add3A_219 : i32 to vector<16xi32>
          %add3A_221 = arith.addi %add3A_215, %add3A_220 : vector<16xi32>
          %scan3A_222 = arith.constant 2 : i32
          %scan3A_223 = arith.addi %scan3A_211, %scan3A_222 : i32
          %gather3A_224 = tpu.vector_load_idx %arg12[%add3A_221, %and3A_176] : memref<64x1024xf32, #tpu.memory_space<vmem>>[vector<16xi32>, vector<16xi32>], vector<16xf32>,
          tpu.vector_store_idx %arg13[%sub3A_189, %add3A_221], %gather3A_224 masked %lt3A_161 : memref<64x128xf32, #tpu.memory_space<vmem>>[vector<16xi32>, vector<16xi32>], vector<16xf32>, vector<16xi1>
          %add3A_225 = arith.constant 1 : i32
          %add3A_226 = vector.broadcast %add3A_225 : i32 to vector<16xi32>
          %add3A_227 = arith.addi %add3A_221, %add3A_226 : vector<16xi32>
          %scan3A_228 = arith.constant 3 : i32
          %scan3A_229 = arith.addi %scan3A_211, %scan3A_228 : i32
          %gather3A_230 = tpu.vector_load_idx %arg12[%add3A_227, %and3A_176] : memref<64x1024xf32, #tpu.memory_space<vmem>>[vector<16xi32>, vector<16xi32>], vector<16xf32>,
          tpu.vector_store_idx %arg13[%sub3A_189, %add3A_227], %gather3A_230 masked %lt3A_161 : memref<64x128xf32, #tpu.memory_space<vmem>>[vector<16xi32>, vector<16xi32>], vector<16xf32>, vector<16xi1>
          %add3A_231 = arith.constant 1 : i32
          %add3A_232 = vector.broadcast %add3A_231 : i32 to vector<16xi32>
          %add3A_233 = arith.addi %add3A_227, %add3A_232 : vector<16xi32>
          %scan3A_234 = arith.constant 4 : i32
          %scan3A_235 = arith.addi %scan3A_211, %scan3A_234 : i32
          %gather3A_236 = tpu.vector_load_idx %arg12[%add3A_233, %and3A_176] : memref<64x1024xf32, #tpu.memory_space<vmem>>[vector<16xi32>, vector<16xi32>], vector<16xf32>,
          tpu.vector_store_idx %arg13[%sub3A_189, %add3A_233], %gather3A_236 masked %lt3A_161 : memref<64x128xf32, #tpu.memory_space<vmem>>[vector<16xi32>, vector<16xi32>], vector<16xf32>, vector<16xi1>
          %add3A_237 = arith.constant 1 : i32
          %add3A_238 = vector.broadcast %add3A_237 : i32 to vector<16xi32>
          %add3A_239 = arith.addi %add3A_233, %add3A_238 : vector<16xi32>
          %scan3A_240 = arith.constant 5 : i32
          %scan3A_241 = arith.addi %scan3A_211, %scan3A_240 : i32
          %gather3A_242 = tpu.vector_load_idx %arg12[%add3A_239, %and3A_176] : memref<64x1024xf32, #tpu.memory_space<vmem>>[vector<16xi32>, vector<16xi32>], vector<16xf32>,
          tpu.vector_store_idx %arg13[%sub3A_189, %add3A_239], %gather3A_242 masked %lt3A_161 : memref<64x128xf32, #tpu.memory_space<vmem>>[vector<16xi32>, vector<16xi32>], vector<16xf32>, vector<16xi1>
          %add3A_243 = arith.constant 1 : i32
          %add3A_244 = vector.broadcast %add3A_243 : i32 to vector<16xi32>
          %add3A_245 = arith.addi %add3A_239, %add3A_244 : vector<16xi32>
          %scan3A_246 = arith.constant 6 : i32
          %scan3A_247 = arith.addi %scan3A_211, %scan3A_246 : i32
          %gather3A_248 = tpu.vector_load_idx %arg12[%add3A_245, %and3A_176] : memref<64x1024xf32, #tpu.memory_space<vmem>>[vector<16xi32>, vector<16xi32>], vector<16xf32>,
          tpu.vector_store_idx %arg13[%sub3A_189, %add3A_245], %gather3A_248 masked %lt3A_161 : memref<64x128xf32, #tpu.memory_space<vmem>>[vector<16xi32>, vector<16xi32>], vector<16xf32>, vector<16xi1>
          %add3A_249 = arith.constant 1 : i32
          %add3A_250 = vector.broadcast %add3A_249 : i32 to vector<16xi32>
          %add3A_251 = arith.addi %add3A_245, %add3A_250 : vector<16xi32>
          %scan3A_252 = arith.constant 7 : i32
          %scan3A_253 = arith.addi %scan3A_211, %scan3A_252 : i32
          %gather3A_254 = tpu.vector_load_idx %arg12[%add3A_251, %and3A_176] : memref<64x1024xf32, #tpu.memory_space<vmem>>[vector<16xi32>, vector<16xi32>], vector<16xf32>,
          tpu.vector_store_idx %arg13[%sub3A_189, %add3A_251], %gather3A_254 masked %lt3A_161 : memref<64x128xf32, #tpu.memory_space<vmem>>[vector<16xi32>, vector<16xi32>], vector<16xf32>, vector<16xi1>
          %add3A_255 = arith.constant 1 : i32
          %add3A_256 = vector.broadcast %add3A_255 : i32 to vector<16xi32>
          %add3A_257 = arith.addi %add3A_251, %add3A_256 : vector<16xi32>
          scf.yield %add3A_257 : vector<16xi32>
        }
        %scan3A_197 = arith.constant 64 : i32
        %and3A_198 = arith.constant 16383 : i32
        %and3A_199 = vector.broadcast %and3A_198 : i32 to vector<16xi32>
        %and3A_200 = arith.andi %get3A_158, %and3A_199 : vector<16xi32>
        tpu.vector_store_idx %arg14[%sub3A_189], %and3A_200 masked %lt3A_161 : memref<64xi32, #tpu.memory_space<vmem>>[vector<16xi32>], vector<16xi32>, vector<16xi1>
        %add3A_201 = arith.addi %while3A_153, %reduce_sum3A_170 : i32
        %gt3A_202 = arith.constant 48 : i32
        %gt3A_203 = arith.cmpi sgt, %add3A_201, %gt3A_202 : i32
        %convert_element_type3A_204 = arith.extui %gt3A_203 : i1 to i32
        %cond3A_205 = arith.constant 0 : i32
        %cond3A_206 = arith.cmpi ne, %convert_element_type3A_204, %cond3A_205 : i32
        scf.if %cond3A_206 {
          %dma_start3A = arith.constant 0 : i32
          %dma_start3A_211 = arith.constant 0 : i32
          %dma_start3A_212 = tpu.memref_slice %arg5[%dma_start3A, %dma_start3A_211] : memref<16424x128xf32, #tpu.memory_space<hbm>> -> memref<16424x128xf32, #tpu.memory_space<hbm>>
          tpu.enqueue_indirect_dma source(%arg13 : memref<64x128xf32, #tpu.memory_space<vmem>>) target(%dma_start3A_212 : memref<16424x128xf32, #tpu.memory_space<hbm>>) offsets(%arg14 : memref<64xi32, #tpu.memory_space<vmem>>) semaphore(%arg15 : memref<!tpu.dma_semaphore, #tpu.memory_space<semaphore_mem>>)
          %dma_wait3A = arith.constant 0 : i32
          %dma_wait3A_213 = arith.constant 0 : i32
          %dma_wait3A_214 = tpu.memref_slice %arg5[%dma_wait3A, %dma_wait3A_213] : memref<16424x128xf32, #tpu.memory_space<hbm>> -> memref<16424x128xf32, #tpu.memory_space<hbm>>
          tpu.wait_indirect_dma semaphore(%arg15 : memref<!tpu.dma_semaphore, #tpu.memory_space<semaphore_mem>>) src(%arg13 : memref<64x128xf32, #tpu.memory_space<vmem>>) dst(%dma_wait3A_214 : memref<16424x128xf32, #tpu.memory_space<hbm>>)
          %swap3A_215 = arith.constant 0 : index
          %swap3A_216 = tpu.vector_load %arg14[%swap3A_215] {strides = array<i32>} : memref<64xi32, #tpu.memory_space<vmem>>, vector<16xi32>,
          tpu.vector_store %arg14[%swap3A_215], %broadcast_in_dim3A_9 {strides = array<i32>} : memref<64xi32, #tpu.memory_space<vmem>>, vector<16xi32>,
          %swap3A_217 = arith.constant 16 : index
          %swap3A_218 = tpu.vector_load %arg14[%swap3A_217] {strides = array<i32>} : memref<64xi32, #tpu.memory_space<vmem>>, vector<16xi32>,
          tpu.vector_store %arg14[%swap3A_217], %broadcast_in_dim3A_9 {strides = array<i32>} : memref<64xi32, #tpu.memory_space<vmem>>, vector<16xi32>,
          %swap3A_219 = arith.constant 32 : index
          %swap3A_220 = tpu.vector_load %arg14[%swap3A_219] {strides = array<i32>} : memref<64xi32, #tpu.memory_space<vmem>>, vector<16xi32>,
          tpu.vector_store %arg14[%swap3A_219], %broadcast_in_dim3A_9 {strides = array<i32>} : memref<64xi32, #tpu.memory_space<vmem>>, vector<16xi32>,
          %swap3A_221 = arith.constant 48 : index
          %swap3A_222 = tpu.vector_load %arg14[%swap3A_221] {strides = array<i32>} : memref<64xi32, #tpu.memory_space<vmem>>, vector<16xi32>,
          tpu.vector_store %arg14[%swap3A_221], %broadcast_in_dim3A_9 {strides = array<i32>} : memref<64xi32, #tpu.memory_space<vmem>>, vector<16xi32>,
        } else {
        }
        %gt3A_207 = arith.constant 48 : i32
        %gt3A_208 = arith.cmpi sgt, %add3A_201, %gt3A_207 : i32
        %jit3A_209 = arith.constant 0 : i32
        %select_n3A_210 = arith.select %gt3A_208, %jit3A_209, %add3A_201 : i32
        scf.yield %select_n3A_210 : i32
      }
      scf.yield %while3A_151 : i32
    }
    %while3A_96 = arith.constant 1 : i32
    %while3A_97 = scf.for %while3A_100 = %while3A_93 to %while3A_89 step %while3A_96 iter_args(%while3A_101 = %while3A_95) -> (i32)  : i32 {
      %eq3A = arith.constant 976 : i32
      %eq3A_102 = arith.cmpi eq, %while3A_100, %eq3A : i32
      %convert_element_type3A_103 = arith.extui %eq3A_102 : i1 to i32
      %cond3A_104 = arith.constant 0 : i32
      %cond3A_105 = arith.cmpi ne, %convert_element_type3A_103, %cond3A_104 : i32
      scf.if %cond3A_105 {
        "tpu.region"() ({
          %run_scoped3A = tpu.sem_alloc : memref<!tpu.dma_semaphore, #tpu.memory_space<semaphore_mem>>
          tpu.enqueue_dma source(%arg4 : memref<64x1024xf32, #tpu.memory_space<hbm>>) target(%arg12 : memref<64x1024xf32, #tpu.memory_space<vmem>>) target_semaphore(%run_scoped3A : memref<!tpu.dma_semaphore, #tpu.memory_space<semaphore_mem>>)
          tpu.wait_dma2 semaphore(%run_scoped3A : memref<!tpu.dma_semaphore, #tpu.memory_space<semaphore_mem>>) src(%arg4 : memref<64x1024xf32, #tpu.memory_space<hbm>>) dst(%arg12 : memref<64x1024xf32, #tpu.memory_space<vmem>>)
          tpu.yield
        }) : () -> ()
      } else {
      }
      %ne3A = arith.constant 976 : i32
      %ne3A_106 = arith.cmpi ne, %while3A_100, %ne3A : i32
      %convert_element_type3A_107 = arith.extui %ne3A_106 : i1 to i32
      %cond3A_108 = arith.constant 0 : i32
      %cond3A_109 = arith.cmpi ne, %convert_element_type3A_107, %cond3A_108 : i32
      scf.if %cond3A_109 {
        %mul3A_152 = arith.constant 1024 : i32
        %mul3A_153 = arith.muli %while3A_100, %mul3A_152 : i32
        "tpu.region"() ({
          %run_scoped3A = tpu.sem_alloc : memref<!tpu.dma_semaphore, #tpu.memory_space<semaphore_mem>>
          %dma_start3A = arith.constant 0 : i32
          %dma_start3A_154 = tpu.memref_slice %arg3[%dma_start3A, %mul3A_153] : memref<64x1000000xf32, #tpu.memory_space<hbm>> -> memref<64x1024xf32, #tpu.memory_space<hbm>>
          %dma_start3A_155 = arith.constant 0 : i32
          %dma_start3A_156 = tpu.memref_slice %arg3[%dma_start3A_155, %mul3A_153] : memref<64x1000000xf32, #tpu.memory_space<hbm>> -> memref<64x1024xf32, #tpu.memory_space<hbm>>
          tpu.enqueue_dma source(%dma_start3A_156 : memref<64x1024xf32, #tpu.memory_space<hbm>>) target(%arg12 : memref<64x1024xf32, #tpu.memory_space<vmem>>) target_semaphore(%run_scoped3A : memref<!tpu.dma_semaphore, #tpu.memory_space<semaphore_mem>>)
          %dma_wait3A = arith.constant 0 : i32
          %dma_wait3A_157 = tpu.memref_slice %arg3[%dma_wait3A, %mul3A_153] : memref<64x1000000xf32, #tpu.memory_space<hbm>> -> memref<64x1024xf32, #tpu.memory_space<hbm>>
          %dma_wait3A_158 = arith.constant 0 : i32
          %dma_wait3A_159 = tpu.memref_slice %arg3[%dma_wait3A_158, %mul3A_153] : memref<64x1000000xf32, #tpu.memory_space<hbm>> -> memref<64x1024xf32, #tpu.memory_space<hbm>>
          tpu.wait_dma2 semaphore(%run_scoped3A : memref<!tpu.dma_semaphore, #tpu.memory_space<semaphore_mem>>) src(%dma_wait3A_159 : memref<64x1024xf32, #tpu.memory_space<hbm>>) dst(%arg12 : memref<64x1024xf32, #tpu.memory_space<vmem>>)
          tpu.yield
        }) : () -> ()
      } else {
      }
      %sub3A_110 = arith.subi %while3A_100, %mul3A_2 : i32
      %and3A = arith.constant 15 : i32
      %and3A_111 = arith.andi %sub3A_110, %and3A : i32
      %eq3A_112 = vector.broadcast %and3A_111 : i32 to vector<16xi32>
      %eq3A_113 = arith.cmpi eq, %iota3A, %eq3A_112 : vector<16xi32>
      %shift_right_arithmetic3A = arith.constant 4 : i32
      %shift_right_arithmetic3A_114 = arith.shrsi %sub3A_110, %shift_right_arithmetic3A : i32
      %mul3A_115 = arith.constant 16 : i32
      %mul3A_116 = arith.muli %shift_right_arithmetic3A_114, %mul3A_115 : i32
      %get3A_117 = arith.index_cast %mul3A_116 : i32 to index
      %get3A_118 = tpu.vector_load %arg10[%get3A_117] {strides = array<i32>} : memref<64xi32, #tpu.memory_space<vmem>>, vector<16xi32>,
      %shift_right_arithmetic3A_119 = arith.constant 4 : i32
      %shift_right_arithmetic3A_120 = arith.shrsi %sub3A_110, %shift_right_arithmetic3A_119 : i32
      %mul3A_121 = arith.constant 16 : i32
      %mul3A_122 = arith.muli %shift_right_arithmetic3A_120, %mul3A_121 : i32
      %get3A_123 = arith.index_cast %mul3A_122 : i32 to index
      %get3A_124 = tpu.vector_load %arg9[%get3A_123] {strides = array<i32>} : memref<64xi32, #tpu.memory_space<vmem>>, vector<16xi32>,
      %jit3A = arith.constant 0 : i32
      %broadcast_in_dim3A_125 = vector.broadcast %jit3A : i32 to vector<16xi32>
      %select_n3A = arith.select %eq3A_113, %get3A_118, %broadcast_in_dim3A_125 : vector<16xi1>, vector<16xi32>
      %reduce_sum3A_126 = arith.constant true
      %reduce_sum3A_127 = vector.broadcast %reduce_sum3A_126 : i1 to vector<16xi1>
      %reduce_sum3A_128 = tpu.scan <sum>, %select_n3A masked %reduce_sum3A_127 : vector<16xi32>, vector<16xi1> -> vector<16xi32>
      %reduce_sum3A_129 = vector.extract %reduce_sum3A_128[15] : i32 from vector<16xi32>
      %jit3A_130 = arith.constant 0 : i32
      %broadcast_in_dim3A_131 = vector.broadcast %jit3A_130 : i32 to vector<16xi32>
      %select_n3A_132 = arith.select %eq3A_113, %get3A_124, %broadcast_in_dim3A_131 : vector<16xi1>, vector<16xi32>
      %reduce_sum3A_133 = arith.constant true
      %reduce_sum3A_134 = vector.broadcast %reduce_sum3A_133 : i1 to vector<16xi1>
      %reduce_sum3A_135 = tpu.scan <sum>, %select_n3A_132 masked %reduce_sum3A_134 : vector<16xi32>, vector<16xi1> -> vector<16xi32>
      %reduce_sum3A_136 = vector.extract %reduce_sum3A_135[15] : i32 from vector<16xi32>
      %sub3A_137 = arith.subi %reduce_sum3A_136, %reduce_sum3A_129 : i32
      %add3A_138 = arith.constant 15 : i32
      %add3A_139 = arith.addi %sub3A_137, %add3A_138 : i32
      %shift_right_logical3A = arith.constant 4 : i32
      %shift_right_logical3A_140 = arith.shrui %add3A_139, %shift_right_logical3A : i32
      %while3A_141 = arith.constant 0 : i32
      %while3A_142 = arith.subi %shift_right_logical3A_140, %while3A_141 : i32
      %while3A_143 = arith.addi %while3A_141, %while3A_142 : i32
      %while3A_144 = arith.constant 1 : i32
      %while3A_145 = arith.divsi %while3A_142, %while3A_144 : i32
      %while3A_146 = arith.muli %while3A_145, %while3A_144 : i32
      %while3A_147 = arith.addi %while3A_141, %while3A_146 : i32
      %while3A_148 = arith.constant 1 : i32
      %while3A_149 = scf.for %while3A_152 = %while3A_141 to %while3A_147 step %while3A_148 iter_args(%while3A_153 = %while3A_101) -> (i32)  : i32 {
        %mul3A_154 = arith.constant 16 : i32
        %mul3A_155 = arith.muli %while3A_152, %mul3A_154 : i32
        %add3A_156 = arith.addi %reduce_sum3A_129, %mul3A_155 : i32
        %get3A_157 = arith.index_cast %add3A_156 : i32 to index
        %get3A_158 = tpu.vector_load %arg8[%get3A_157] {strides = array<i32>} : memref<16400xi32, #tpu.memory_space<vmem>>, vector<16xi32>,
        %add3A_159 = vector.broadcast %add3A_156 : i32 to vector<16xi32>
        %add3A_160 = arith.addi %add3A_159, %iota3A : vector<16xi32>
        %lt3A = vector.broadcast %reduce_sum3A_136 : i32 to vector<16xi32>
        %lt3A_161 = arith.cmpi slt, %add3A_160, %lt3A : vector<16xi32>
        %jit3A_162 = arith.constant 1 : i32
        %jit3A_163 = arith.constant 0 : i32
        %broadcast_in_dim3A_164 = vector.broadcast %jit3A_162 : i32 to vector<16xi32>
        %broadcast_in_dim3A_165 = vector.broadcast %jit3A_163 : i32 to vector<16xi32>
        %select_n3A_166 = arith.select %lt3A_161, %broadcast_in_dim3A_164, %broadcast_in_dim3A_165 : vector<16xi1>, vector<16xi32>
        %reduce_sum3A_167 = arith.constant true
        %reduce_sum3A_168 = vector.broadcast %reduce_sum3A_167 : i1 to vector<16xi1>
        %reduce_sum3A_169 = tpu.scan <sum>, %select_n3A_166 masked %reduce_sum3A_168 : vector<16xi32>, vector<16xi1> -> vector<16xi32>
        %reduce_sum3A_170 = vector.extract %reduce_sum3A_169[15] : i32 from vector<16xi32>
        %shift_right_logical3A_171 = arith.constant 14 : i32
        %shift_right_logical3A_172 = vector.broadcast %shift_right_logical3A_171 : i32 to vector<16xi32>
        %shift_right_logical3A_173 = arith.shrui %get3A_158, %shift_right_logical3A_172 : vector<16xi32>
        %and3A_174 = arith.constant 1023 : i32
        %and3A_175 = vector.broadcast %and3A_174 : i32 to vector<16xi32>
        %and3A_176 = arith.andi %shift_right_logical3A_173, %and3A_175 : vector<16xi32>
        %jit3A_177 = arith.constant 1 : i32
        %jit3A_178 = arith.constant 0 : i32
        %broadcast_in_dim3A_179 = vector.broadcast %jit3A_177 : i32 to vector<16xi32>
        %broadcast_in_dim3A_180 = vector.broadcast %jit3A_178 : i32 to vector<16xi32>
        %select_n3A_181 = arith.select %lt3A_161, %broadcast_in_dim3A_179, %broadcast_in_dim3A_180 : vector<16xi1>, vector<16xi32>
        %broadcast_in_dim3A_182 = arith.constant true
        %broadcast_in_dim3A_183 = vector.broadcast %broadcast_in_dim3A_182 : i1 to vector<16xi1>
        %masked_cumsum3A_184 = tpu.scan <sum>, %select_n3A_181 masked %broadcast_in_dim3A_183 : vector<16xi32>, vector<16xi1> -> vector<16xi32>
        %add3A_185 = vector.broadcast %while3A_153 : i32 to vector<16xi32>
        %add3A_186 = arith.addi %add3A_185, %masked_cumsum3A_184 : vector<16xi32>
        %sub3A_187 = arith.constant 1 : i32
        %sub3A_188 = vector.broadcast %sub3A_187 : i32 to vector<16xi32>
        %sub3A_189 = arith.subi %add3A_186, %sub3A_188 : vector<16xi32>
        %broadcast_in_dim3A_190 = arith.constant 0 : i32
        %broadcast_in_dim3A_191 = vector.broadcast %broadcast_in_dim3A_190 : i32 to vector<16xi32>
        %scan3A_192 = arith.constant 0 : i32
        %scan3A_193 = arith.constant 64 : i32
        %scan3A_194 = arith.addi %scan3A_192, %scan3A_193 : i32
        %scan3A_195 = arith.constant 8 : i32
        %scan3A_196 = scf.for %scan3A_211 = %scan3A_192 to %scan3A_194 step %scan3A_195 iter_args(%scan3A_212 = %broadcast_in_dim3A_191) -> (vector<16xi32>)  : i32 {
          %gather3A = tpu.vector_load_idx %arg12[%scan3A_212, %and3A_176] : memref<64x1024xf32, #tpu.memory_space<vmem>>[vector<16xi32>, vector<16xi32>], vector<16xf32>,
          tpu.vector_store_idx %arg13[%sub3A_189, %scan3A_212], %gather3A masked %lt3A_161 : memref<64x128xf32, #tpu.memory_space<vmem>>[vector<16xi32>, vector<16xi32>], vector<16xf32>, vector<16xi1>
          %add3A_213 = arith.constant 1 : i32
          %add3A_214 = vector.broadcast %add3A_213 : i32 to vector<16xi32>
          %add3A_215 = arith.addi %scan3A_212, %add3A_214 : vector<16xi32>
          %scan3A_216 = arith.constant 1 : i32
          %scan3A_217 = arith.addi %scan3A_211, %scan3A_216 : i32
          %gather3A_218 = tpu.vector_load_idx %arg12[%add3A_215, %and3A_176] : memref<64x1024xf32, #tpu.memory_space<vmem>>[vector<16xi32>, vector<16xi32>], vector<16xf32>,
          tpu.vector_store_idx %arg13[%sub3A_189, %add3A_215], %gather3A_218 masked %lt3A_161 : memref<64x128xf32, #tpu.memory_space<vmem>>[vector<16xi32>, vector<16xi32>], vector<16xf32>, vector<16xi1>
          %add3A_219 = arith.constant 1 : i32
          %add3A_220 = vector.broadcast %add3A_219 : i32 to vector<16xi32>
          %add3A_221 = arith.addi %add3A_215, %add3A_220 : vector<16xi32>
          %scan3A_222 = arith.constant 2 : i32
          %scan3A_223 = arith.addi %scan3A_211, %scan3A_222 : i32
          %gather3A_224 = tpu.vector_load_idx %arg12[%add3A_221, %and3A_176] : memref<64x1024xf32, #tpu.memory_space<vmem>>[vector<16xi32>, vector<16xi32>], vector<16xf32>,
          tpu.vector_store_idx %arg13[%sub3A_189, %add3A_221], %gather3A_224 masked %lt3A_161 : memref<64x128xf32, #tpu.memory_space<vmem>>[vector<16xi32>, vector<16xi32>], vector<16xf32>, vector<16xi1>
          %add3A_225 = arith.constant 1 : i32
          %add3A_226 = vector.broadcast %add3A_225 : i32 to vector<16xi32>
          %add3A_227 = arith.addi %add3A_221, %add3A_226 : vector<16xi32>
          %scan3A_228 = arith.constant 3 : i32
          %scan3A_229 = arith.addi %scan3A_211, %scan3A_228 : i32
          %gather3A_230 = tpu.vector_load_idx %arg12[%add3A_227, %and3A_176] : memref<64x1024xf32, #tpu.memory_space<vmem>>[vector<16xi32>, vector<16xi32>], vector<16xf32>,
          tpu.vector_store_idx %arg13[%sub3A_189, %add3A_227], %gather3A_230 masked %lt3A_161 : memref<64x128xf32, #tpu.memory_space<vmem>>[vector<16xi32>, vector<16xi32>], vector<16xf32>, vector<16xi1>
          %add3A_231 = arith.constant 1 : i32
          %add3A_232 = vector.broadcast %add3A_231 : i32 to vector<16xi32>
          %add3A_233 = arith.addi %add3A_227, %add3A_232 : vector<16xi32>
          %scan3A_234 = arith.constant 4 : i32
          %scan3A_235 = arith.addi %scan3A_211, %scan3A_234 : i32
          %gather3A_236 = tpu.vector_load_idx %arg12[%add3A_233, %and3A_176] : memref<64x1024xf32, #tpu.memory_space<vmem>>[vector<16xi32>, vector<16xi32>], vector<16xf32>,
          tpu.vector_store_idx %arg13[%sub3A_189, %add3A_233], %gather3A_236 masked %lt3A_161 : memref<64x128xf32, #tpu.memory_space<vmem>>[vector<16xi32>, vector<16xi32>], vector<16xf32>, vector<16xi1>
          %add3A_237 = arith.constant 1 : i32
          %add3A_238 = vector.broadcast %add3A_237 : i32 to vector<16xi32>
          %add3A_239 = arith.addi %add3A_233, %add3A_238 : vector<16xi32>
          %scan3A_240 = arith.constant 5 : i32
          %scan3A_241 = arith.addi %scan3A_211, %scan3A_240 : i32
          %gather3A_242 = tpu.vector_load_idx %arg12[%add3A_239, %and3A_176] : memref<64x1024xf32, #tpu.memory_space<vmem>>[vector<16xi32>, vector<16xi32>], vector<16xf32>,
          tpu.vector_store_idx %arg13[%sub3A_189, %add3A_239], %gather3A_242 masked %lt3A_161 : memref<64x128xf32, #tpu.memory_space<vmem>>[vector<16xi32>, vector<16xi32>], vector<16xf32>, vector<16xi1>
          %add3A_243 = arith.constant 1 : i32
          %add3A_244 = vector.broadcast %add3A_243 : i32 to vector<16xi32>
          %add3A_245 = arith.addi %add3A_239, %add3A_244 : vector<16xi32>
          %scan3A_246 = arith.constant 6 : i32
          %scan3A_247 = arith.addi %scan3A_211, %scan3A_246 : i32
          %gather3A_248 = tpu.vector_load_idx %arg12[%add3A_245, %and3A_176] : memref<64x1024xf32, #tpu.memory_space<vmem>>[vector<16xi32>, vector<16xi32>], vector<16xf32>,
          tpu.vector_store_idx %arg13[%sub3A_189, %add3A_245], %gather3A_248 masked %lt3A_161 : memref<64x128xf32, #tpu.memory_space<vmem>>[vector<16xi32>, vector<16xi32>], vector<16xf32>, vector<16xi1>
          %add3A_249 = arith.constant 1 : i32
          %add3A_250 = vector.broadcast %add3A_249 : i32 to vector<16xi32>
          %add3A_251 = arith.addi %add3A_245, %add3A_250 : vector<16xi32>
          %scan3A_252 = arith.constant 7 : i32
          %scan3A_253 = arith.addi %scan3A_211, %scan3A_252 : i32
          %gather3A_254 = tpu.vector_load_idx %arg12[%add3A_251, %and3A_176] : memref<64x1024xf32, #tpu.memory_space<vmem>>[vector<16xi32>, vector<16xi32>], vector<16xf32>,
          tpu.vector_store_idx %arg13[%sub3A_189, %add3A_251], %gather3A_254 masked %lt3A_161 : memref<64x128xf32, #tpu.memory_space<vmem>>[vector<16xi32>, vector<16xi32>], vector<16xf32>, vector<16xi1>
          %add3A_255 = arith.constant 1 : i32
          %add3A_256 = vector.broadcast %add3A_255 : i32 to vector<16xi32>
          %add3A_257 = arith.addi %add3A_251, %add3A_256 : vector<16xi32>
          scf.yield %add3A_257 : vector<16xi32>
        }
        %scan3A_197 = arith.constant 64 : i32
        %and3A_198 = arith.constant 16383 : i32
        %and3A_199 = vector.broadcast %and3A_198 : i32 to vector<16xi32>
        %and3A_200 = arith.andi %get3A_158, %and3A_199 : vector<16xi32>
        tpu.vector_store_idx %arg14[%sub3A_189], %and3A_200 masked %lt3A_161 : memref<64xi32, #tpu.memory_space<vmem>>[vector<16xi32>], vector<16xi32>, vector<16xi1>
        %add3A_201 = arith.addi %while3A_153, %reduce_sum3A_170 : i32
        %gt3A_202 = arith.constant 48 : i32
        %gt3A_203 = arith.cmpi sgt, %add3A_201, %gt3A_202 : i32
        %convert_element_type3A_204 = arith.extui %gt3A_203 : i1 to i32
        %cond3A_205 = arith.constant 0 : i32
        %cond3A_206 = arith.cmpi ne, %convert_element_type3A_204, %cond3A_205 : i32
        scf.if %cond3A_206 {
          %dma_start3A = arith.constant 0 : i32
          %dma_start3A_211 = arith.constant 0 : i32
          %dma_start3A_212 = tpu.memref_slice %arg5[%dma_start3A, %dma_start3A_211] : memref<16424x128xf32, #tpu.memory_space<hbm>> -> memref<16424x128xf32, #tpu.memory_space<hbm>>
          tpu.enqueue_indirect_dma source(%arg13 : memref<64x128xf32, #tpu.memory_space<vmem>>) target(%dma_start3A_212 : memref<16424x128xf32, #tpu.memory_space<hbm>>) offsets(%arg14 : memref<64xi32, #tpu.memory_space<vmem>>) semaphore(%arg15 : memref<!tpu.dma_semaphore, #tpu.memory_space<semaphore_mem>>)
          %dma_wait3A = arith.constant 0 : i32
          %dma_wait3A_213 = arith.constant 0 : i32
          %dma_wait3A_214 = tpu.memref_slice %arg5[%dma_wait3A, %dma_wait3A_213] : memref<16424x128xf32, #tpu.memory_space<hbm>> -> memref<16424x128xf32, #tpu.memory_space<hbm>>
          tpu.wait_indirect_dma semaphore(%arg15 : memref<!tpu.dma_semaphore, #tpu.memory_space<semaphore_mem>>) src(%arg13 : memref<64x128xf32, #tpu.memory_space<vmem>>) dst(%dma_wait3A_214 : memref<16424x128xf32, #tpu.memory_space<hbm>>)
          %swap3A_215 = arith.constant 0 : index
          %swap3A_216 = tpu.vector_load %arg14[%swap3A_215] {strides = array<i32>} : memref<64xi32, #tpu.memory_space<vmem>>, vector<16xi32>,
          tpu.vector_store %arg14[%swap3A_215], %broadcast_in_dim3A_9 {strides = array<i32>} : memref<64xi32, #tpu.memory_space<vmem>>, vector<16xi32>,
          %swap3A_217 = arith.constant 16 : index
          %swap3A_218 = tpu.vector_load %arg14[%swap3A_217] {strides = array<i32>} : memref<64xi32, #tpu.memory_space<vmem>>, vector<16xi32>,
          tpu.vector_store %arg14[%swap3A_217], %broadcast_in_dim3A_9 {strides = array<i32>} : memref<64xi32, #tpu.memory_space<vmem>>, vector<16xi32>,
          %swap3A_219 = arith.constant 32 : index
          %swap3A_220 = tpu.vector_load %arg14[%swap3A_219] {strides = array<i32>} : memref<64xi32, #tpu.memory_space<vmem>>, vector<16xi32>,
          tpu.vector_store %arg14[%swap3A_219], %broadcast_in_dim3A_9 {strides = array<i32>} : memref<64xi32, #tpu.memory_space<vmem>>, vector<16xi32>,
          %swap3A_221 = arith.constant 48 : index
          %swap3A_222 = tpu.vector_load %arg14[%swap3A_221] {strides = array<i32>} : memref<64xi32, #tpu.memory_space<vmem>>, vector<16xi32>,
          tpu.vector_store %arg14[%swap3A_221], %broadcast_in_dim3A_9 {strides = array<i32>} : memref<64xi32, #tpu.memory_space<vmem>>, vector<16xi32>,
        } else {
        }
        %gt3A_207 = arith.constant 48 : i32
        %gt3A_208 = arith.cmpi sgt, %add3A_201, %gt3A_207 : i32
        %jit3A_209 = arith.constant 0 : i32
        %select_n3A_210 = arith.select %gt3A_208, %jit3A_209, %add3A_201 : i32
        scf.yield %select_n3A_210 : i32
      }
      %while3A_150 = arith.constant 1 : i32
      %while3A_151 = scf.for %while3A_152 = %while3A_147 to %while3A_143 step %while3A_150 iter_args(%while3A_153 = %while3A_149) -> (i32)  : i32 {
        %mul3A_154 = arith.constant 16 : i32
        %mul3A_155 = arith.muli %while3A_152, %mul3A_154 : i32
        %add3A_156 = arith.addi %reduce_sum3A_129, %mul3A_155 : i32
        %get3A_157 = arith.index_cast %add3A_156 : i32 to index
        %get3A_158 = tpu.vector_load %arg8[%get3A_157] {strides = array<i32>} : memref<16400xi32, #tpu.memory_space<vmem>>, vector<16xi32>,
        %add3A_159 = vector.broadcast %add3A_156 : i32 to vector<16xi32>
        %add3A_160 = arith.addi %add3A_159, %iota3A : vector<16xi32>
        %lt3A = vector.broadcast %reduce_sum3A_136 : i32 to vector<16xi32>
        %lt3A_161 = arith.cmpi slt, %add3A_160, %lt3A : vector<16xi32>
        %jit3A_162 = arith.constant 1 : i32
        %jit3A_163 = arith.constant 0 : i32
        %broadcast_in_dim3A_164 = vector.broadcast %jit3A_162 : i32 to vector<16xi32>
        %broadcast_in_dim3A_165 = vector.broadcast %jit3A_163 : i32 to vector<16xi32>
        %select_n3A_166 = arith.select %lt3A_161, %broadcast_in_dim3A_164, %broadcast_in_dim3A_165 : vector<16xi1>, vector<16xi32>
        %reduce_sum3A_167 = arith.constant true
        %reduce_sum3A_168 = vector.broadcast %reduce_sum3A_167 : i1 to vector<16xi1>
        %reduce_sum3A_169 = tpu.scan <sum>, %select_n3A_166 masked %reduce_sum3A_168 : vector<16xi32>, vector<16xi1> -> vector<16xi32>
        %reduce_sum3A_170 = vector.extract %reduce_sum3A_169[15] : i32 from vector<16xi32>
        %shift_right_logical3A_171 = arith.constant 14 : i32
        %shift_right_logical3A_172 = vector.broadcast %shift_right_logical3A_171 : i32 to vector<16xi32>
        %shift_right_logical3A_173 = arith.shrui %get3A_158, %shift_right_logical3A_172 : vector<16xi32>
        %and3A_174 = arith.constant 1023 : i32
        %and3A_175 = vector.broadcast %and3A_174 : i32 to vector<16xi32>
        %and3A_176 = arith.andi %shift_right_logical3A_173, %and3A_175 : vector<16xi32>
        %jit3A_177 = arith.constant 1 : i32
        %jit3A_178 = arith.constant 0 : i32
        %broadcast_in_dim3A_179 = vector.broadcast %jit3A_177 : i32 to vector<16xi32>
        %broadcast_in_dim3A_180 = vector.broadcast %jit3A_178 : i32 to vector<16xi32>
        %select_n3A_181 = arith.select %lt3A_161, %broadcast_in_dim3A_179, %broadcast_in_dim3A_180 : vector<16xi1>, vector<16xi32>
        %broadcast_in_dim3A_182 = arith.constant true
        %broadcast_in_dim3A_183 = vector.broadcast %broadcast_in_dim3A_182 : i1 to vector<16xi1>
        %masked_cumsum3A_184 = tpu.scan <sum>, %select_n3A_181 masked %broadcast_in_dim3A_183 : vector<16xi32>, vector<16xi1> -> vector<16xi32>
        %add3A_185 = vector.broadcast %while3A_153 : i32 to vector<16xi32>
        %add3A_186 = arith.addi %add3A_185, %masked_cumsum3A_184 : vector<16xi32>
        %sub3A_187 = arith.constant 1 : i32
        %sub3A_188 = vector.broadcast %sub3A_187 : i32 to vector<16xi32>
        %sub3A_189 = arith.subi %add3A_186, %sub3A_188 : vector<16xi32>
        %broadcast_in_dim3A_190 = arith.constant 0 : i32
        %broadcast_in_dim3A_191 = vector.broadcast %broadcast_in_dim3A_190 : i32 to vector<16xi32>
        %scan3A_192 = arith.constant 0 : i32
        %scan3A_193 = arith.constant 64 : i32
        %scan3A_194 = arith.addi %scan3A_192, %scan3A_193 : i32
        %scan3A_195 = arith.constant 8 : i32
        %scan3A_196 = scf.for %scan3A_211 = %scan3A_192 to %scan3A_194 step %scan3A_195 iter_args(%scan3A_212 = %broadcast_in_dim3A_191) -> (vector<16xi32>)  : i32 {
          %gather3A = tpu.vector_load_idx %arg12[%scan3A_212, %and3A_176] : memref<64x1024xf32, #tpu.memory_space<vmem>>[vector<16xi32>, vector<16xi32>], vector<16xf32>,
          tpu.vector_store_idx %arg13[%sub3A_189, %scan3A_212], %gather3A masked %lt3A_161 : memref<64x128xf32, #tpu.memory_space<vmem>>[vector<16xi32>, vector<16xi32>], vector<16xf32>, vector<16xi1>
          %add3A_213 = arith.constant 1 : i32
          %add3A_214 = vector.broadcast %add3A_213 : i32 to vector<16xi32>
          %add3A_215 = arith.addi %scan3A_212, %add3A_214 : vector<16xi32>
          %scan3A_216 = arith.constant 1 : i32
          %scan3A_217 = arith.addi %scan3A_211, %scan3A_216 : i32
          %gather3A_218 = tpu.vector_load_idx %arg12[%add3A_215, %and3A_176] : memref<64x1024xf32, #tpu.memory_space<vmem>>[vector<16xi32>, vector<16xi32>], vector<16xf32>,
          tpu.vector_store_idx %arg13[%sub3A_189, %add3A_215], %gather3A_218 masked %lt3A_161 : memref<64x128xf32, #tpu.memory_space<vmem>>[vector<16xi32>, vector<16xi32>], vector<16xf32>, vector<16xi1>
          %add3A_219 = arith.constant 1 : i32
          %add3A_220 = vector.broadcast %add3A_219 : i32 to vector<16xi32>
          %add3A_221 = arith.addi %add3A_215, %add3A_220 : vector<16xi32>
          %scan3A_222 = arith.constant 2 : i32
          %scan3A_223 = arith.addi %scan3A_211, %scan3A_222 : i32
          %gather3A_224 = tpu.vector_load_idx %arg12[%add3A_221, %and3A_176] : memref<64x1024xf32, #tpu.memory_space<vmem>>[vector<16xi32>, vector<16xi32>], vector<16xf32>,
          tpu.vector_store_idx %arg13[%sub3A_189, %add3A_221], %gather3A_224 masked %lt3A_161 : memref<64x128xf32, #tpu.memory_space<vmem>>[vector<16xi32>, vector<16xi32>], vector<16xf32>, vector<16xi1>
          %add3A_225 = arith.constant 1 : i32
          %add3A_226 = vector.broadcast %add3A_225 : i32 to vector<16xi32>
          %add3A_227 = arith.addi %add3A_221, %add3A_226 : vector<16xi32>
          %scan3A_228 = arith.constant 3 : i32
          %scan3A_229 = arith.addi %scan3A_211, %scan3A_228 : i32
          %gather3A_230 = tpu.vector_load_idx %arg12[%add3A_227, %and3A_176] : memref<64x1024xf32, #tpu.memory_space<vmem>>[vector<16xi32>, vector<16xi32>], vector<16xf32>,
          tpu.vector_store_idx %arg13[%sub3A_189, %add3A_227], %gather3A_230 masked %lt3A_161 : memref<64x128xf32, #tpu.memory_space<vmem>>[vector<16xi32>, vector<16xi32>], vector<16xf32>, vector<16xi1>
          %add3A_231 = arith.constant 1 : i32
          %add3A_232 = vector.broadcast %add3A_231 : i32 to vector<16xi32>
          %add3A_233 = arith.addi %add3A_227, %add3A_232 : vector<16xi32>
          %scan3A_234 = arith.constant 4 : i32
          %scan3A_235 = arith.addi %scan3A_211, %scan3A_234 : i32
          %gather3A_236 = tpu.vector_load_idx %arg12[%add3A_233, %and3A_176] : memref<64x1024xf32, #tpu.memory_space<vmem>>[vector<16xi32>, vector<16xi32>], vector<16xf32>,
          tpu.vector_store_idx %arg13[%sub3A_189, %add3A_233], %gather3A_236 masked %lt3A_161 : memref<64x128xf32, #tpu.memory_space<vmem>>[vector<16xi32>, vector<16xi32>], vector<16xf32>, vector<16xi1>
          %add3A_237 = arith.constant 1 : i32
          %add3A_238 = vector.broadcast %add3A_237 : i32 to vector<16xi32>
          %add3A_239 = arith.addi %add3A_233, %add3A_238 : vector<16xi32>
          %scan3A_240 = arith.constant 5 : i32
          %scan3A_241 = arith.addi %scan3A_211, %scan3A_240 : i32
          %gather3A_242 = tpu.vector_load_idx %arg12[%add3A_239, %and3A_176] : memref<64x1024xf32, #tpu.memory_space<vmem>>[vector<16xi32>, vector<16xi32>], vector<16xf32>,
          tpu.vector_store_idx %arg13[%sub3A_189, %add3A_239], %gather3A_242 masked %lt3A_161 : memref<64x128xf32, #tpu.memory_space<vmem>>[vector<16xi32>, vector<16xi32>], vector<16xf32>, vector<16xi1>
          %add3A_243 = arith.constant 1 : i32
          %add3A_244 = vector.broadcast %add3A_243 : i32 to vector<16xi32>
          %add3A_245 = arith.addi %add3A_239, %add3A_244 : vector<16xi32>
          %scan3A_246 = arith.constant 6 : i32
          %scan3A_247 = arith.addi %scan3A_211, %scan3A_246 : i32
          %gather3A_248 = tpu.vector_load_idx %arg12[%add3A_245, %and3A_176] : memref<64x1024xf32, #tpu.memory_space<vmem>>[vector<16xi32>, vector<16xi32>], vector<16xf32>,
          tpu.vector_store_idx %arg13[%sub3A_189, %add3A_245], %gather3A_248 masked %lt3A_161 : memref<64x128xf32, #tpu.memory_space<vmem>>[vector<16xi32>, vector<16xi32>], vector<16xf32>, vector<16xi1>
          %add3A_249 = arith.constant 1 : i32
          %add3A_250 = vector.broadcast %add3A_249 : i32 to vector<16xi32>
          %add3A_251 = arith.addi %add3A_245, %add3A_250 : vector<16xi32>
          %scan3A_252 = arith.constant 7 : i32
          %scan3A_253 = arith.addi %scan3A_211, %scan3A_252 : i32
          %gather3A_254 = tpu.vector_load_idx %arg12[%add3A_251, %and3A_176] : memref<64x1024xf32, #tpu.memory_space<vmem>>[vector<16xi32>, vector<16xi32>], vector<16xf32>,
          tpu.vector_store_idx %arg13[%sub3A_189, %add3A_251], %gather3A_254 masked %lt3A_161 : memref<64x128xf32, #tpu.memory_space<vmem>>[vector<16xi32>, vector<16xi32>], vector<16xf32>, vector<16xi1>
          %add3A_255 = arith.constant 1 : i32
          %add3A_256 = vector.broadcast %add3A_255 : i32 to vector<16xi32>
          %add3A_257 = arith.addi %add3A_251, %add3A_256 : vector<16xi32>
          scf.yield %add3A_257 : vector<16xi32>
        }
        %scan3A_197 = arith.constant 64 : i32
        %and3A_198 = arith.constant 16383 : i32
        %and3A_199 = vector.broadcast %and3A_198 : i32 to vector<16xi32>
        %and3A_200 = arith.andi %get3A_158, %and3A_199 : vector<16xi32>
        tpu.vector_store_idx %arg14[%sub3A_189], %and3A_200 masked %lt3A_161 : memref<64xi32, #tpu.memory_space<vmem>>[vector<16xi32>], vector<16xi32>, vector<16xi1>
        %add3A_201 = arith.addi %while3A_153, %reduce_sum3A_170 : i32
        %gt3A_202 = arith.constant 48 : i32
        %gt3A_203 = arith.cmpi sgt, %add3A_201, %gt3A_202 : i32
        %convert_element_type3A_204 = arith.extui %gt3A_203 : i1 to i32
        %cond3A_205 = arith.constant 0 : i32
        %cond3A_206 = arith.cmpi ne, %convert_element_type3A_204, %cond3A_205 : i32
        scf.if %cond3A_206 {
          %dma_start3A = arith.constant 0 : i32
          %dma_start3A_211 = arith.constant 0 : i32
          %dma_start3A_212 = tpu.memref_slice %arg5[%dma_start3A, %dma_start3A_211] : memref<16424x128xf32, #tpu.memory_space<hbm>> -> memref<16424x128xf32, #tpu.memory_space<hbm>>
          tpu.enqueue_indirect_dma source(%arg13 : memref<64x128xf32, #tpu.memory_space<vmem>>) target(%dma_start3A_212 : memref<16424x128xf32, #tpu.memory_space<hbm>>) offsets(%arg14 : memref<64xi32, #tpu.memory_space<vmem>>) semaphore(%arg15 : memref<!tpu.dma_semaphore, #tpu.memory_space<semaphore_mem>>)
          %dma_wait3A = arith.constant 0 : i32
          %dma_wait3A_213 = arith.constant 0 : i32
          %dma_wait3A_214 = tpu.memref_slice %arg5[%dma_wait3A, %dma_wait3A_213] : memref<16424x128xf32, #tpu.memory_space<hbm>> -> memref<16424x128xf32, #tpu.memory_space<hbm>>
          tpu.wait_indirect_dma semaphore(%arg15 : memref<!tpu.dma_semaphore, #tpu.memory_space<semaphore_mem>>) src(%arg13 : memref<64x128xf32, #tpu.memory_space<vmem>>) dst(%dma_wait3A_214 : memref<16424x128xf32, #tpu.memory_space<hbm>>)
          %swap3A_215 = arith.constant 0 : index
          %swap3A_216 = tpu.vector_load %arg14[%swap3A_215] {strides = array<i32>} : memref<64xi32, #tpu.memory_space<vmem>>, vector<16xi32>,
          tpu.vector_store %arg14[%swap3A_215], %broadcast_in_dim3A_9 {strides = array<i32>} : memref<64xi32, #tpu.memory_space<vmem>>, vector<16xi32>,
          %swap3A_217 = arith.constant 16 : index
          %swap3A_218 = tpu.vector_load %arg14[%swap3A_217] {strides = array<i32>} : memref<64xi32, #tpu.memory_space<vmem>>, vector<16xi32>,
          tpu.vector_store %arg14[%swap3A_217], %broadcast_in_dim3A_9 {strides = array<i32>} : memref<64xi32, #tpu.memory_space<vmem>>, vector<16xi32>,
          %swap3A_219 = arith.constant 32 : index
          %swap3A_220 = tpu.vector_load %arg14[%swap3A_219] {strides = array<i32>} : memref<64xi32, #tpu.memory_space<vmem>>, vector<16xi32>,
          tpu.vector_store %arg14[%swap3A_219], %broadcast_in_dim3A_9 {strides = array<i32>} : memref<64xi32, #tpu.memory_space<vmem>>, vector<16xi32>,
          %swap3A_221 = arith.constant 48 : index
          %swap3A_222 = tpu.vector_load %arg14[%swap3A_221] {strides = array<i32>} : memref<64xi32, #tpu.memory_space<vmem>>, vector<16xi32>,
          tpu.vector_store %arg14[%swap3A_221], %broadcast_in_dim3A_9 {strides = array<i32>} : memref<64xi32, #tpu.memory_space<vmem>>, vector<16xi32>,
        } else {
        }
        %gt3A_207 = arith.constant 48 : i32
        %gt3A_208 = arith.cmpi sgt, %add3A_201, %gt3A_207 : i32
        %jit3A_209 = arith.constant 0 : i32
        %select_n3A_210 = arith.select %gt3A_208, %jit3A_209, %add3A_201 : i32
        scf.yield %select_n3A_210 : i32
      }
      scf.yield %while3A_151 : i32
    }
    %gt3A = arith.constant 0 : i32
    "tpu.trace_stop"() : () -> ()
    %gt3A_98 = arith.cmpi sgt, %while3A_97, %gt3A : i32
    %convert_element_type3A = arith.extui %gt3A_98 : i1 to i32
    %cond3A = arith.constant 0 : i32
    %cond3A_99 = arith.cmpi ne, %convert_element_type3A, %cond3A : i32
    scf.if %cond3A_99 {
      %dma_start3A = arith.constant 0 : i32
      %dma_start3A_100 = arith.constant 0 : i32
      %dma_start3A_101 = tpu.memref_slice %arg5[%dma_start3A, %dma_start3A_100] : memref<16424x128xf32, #tpu.memory_space<hbm>> -> memref<16424x128xf32, #tpu.memory_space<hbm>>
      tpu.enqueue_indirect_dma source(%arg13 : memref<64x128xf32, #tpu.memory_space<vmem>>) target(%dma_start3A_101 : memref<16424x128xf32, #tpu.memory_space<hbm>>) offsets(%arg14 : memref<64xi32, #tpu.memory_space<vmem>>) semaphore(%arg15 : memref<!tpu.dma_semaphore, #tpu.memory_space<semaphore_mem>>)
      %dma_wait3A = arith.constant 0 : i32
      %dma_wait3A_102 = arith.constant 0 : i32
      %dma_wait3A_103 = tpu.memref_slice %arg5[%dma_wait3A, %dma_wait3A_102] : memref<16424x128xf32, #tpu.memory_space<hbm>> -> memref<16424x128xf32, #tpu.memory_space<hbm>>
      tpu.wait_indirect_dma semaphore(%arg15 : memref<!tpu.dma_semaphore, #tpu.memory_space<semaphore_mem>>) src(%arg13 : memref<64x128xf32, #tpu.memory_space<vmem>>) dst(%dma_wait3A_103 : memref<16424x128xf32, #tpu.memory_space<hbm>>)
      %swap3A_104 = arith.constant 0 : index
      %swap3A_105 = tpu.vector_load %arg14[%swap3A_104] {strides = array<i32>} : memref<64xi32, #tpu.memory_space<vmem>>, vector<16xi32>,
      tpu.vector_store %arg14[%swap3A_104], %broadcast_in_dim3A_9 {strides = array<i32>} : memref<64xi32, #tpu.memory_space<vmem>>, vector<16xi32>,
      %swap3A_106 = arith.constant 16 : index
      %swap3A_107 = tpu.vector_load %arg14[%swap3A_106] {strides = array<i32>} : memref<64xi32, #tpu.memory_space<vmem>>, vector<16xi32>,
      tpu.vector_store %arg14[%swap3A_106], %broadcast_in_dim3A_9 {strides = array<i32>} : memref<64xi32, #tpu.memory_space<vmem>>, vector<16xi32>,
      %swap3A_108 = arith.constant 32 : index
      %swap3A_109 = tpu.vector_load %arg14[%swap3A_108] {strides = array<i32>} : memref<64xi32, #tpu.memory_space<vmem>>, vector<16xi32>,
      tpu.vector_store %arg14[%swap3A_108], %broadcast_in_dim3A_9 {strides = array<i32>} : memref<64xi32, #tpu.memory_space<vmem>>, vector<16xi32>,
      %swap3A_110 = arith.constant 48 : index
      %swap3A_111 = tpu.vector_load %arg14[%swap3A_110] {strides = array<i32>} : memref<64xi32, #tpu.memory_space<vmem>>, vector<16xi32>,
      tpu.vector_store %arg14[%swap3A_110], %broadcast_in_dim3A_9 {strides = array<i32>} : memref<64xi32, #tpu.memory_space<vmem>>, vector<16xi32>,
    } else {
    }
    return
  }
}

</mosaic_0001>

<sc_bundles>
// kernel: _gather_sc.3.cloned.1.call-start
scs
__scs_entry_jumppad:
0x0: {  	(pc) =	sbr.rel $0x88, $3  }
0x1: {  	(tag) =	ssettag $0x0;
	lr =	simm.s32 $0x1  }
0x2: {  	[smem:$0x3F9F] =	sst lr;
	_ =	strace $0xD0000000  }
0x3: {  	_ = 	snop  }
0x4: {  	_ = 	snop  }
0x5: {  	_ = 	snop  }
0x6: {  	_ = 	snop  }
0x7: {  	_ = 	snop  }
__scs_overlays_trampoline_lowered:
0x8: {  	[smem:$0x3FAE] =	sst s0  }
0x9: {  	[smem:$0x3FAF] =	sst s1  }
0xa: {  	[smem:$0x3FB0] =	sst s2  }
0xb: {  	[smem:$0x3FB1] =	sst s3  }
0xc: {  	[smem:$0x3FB2] =	sst s4  }
0xd: {  	[smem:$0x3FB3] =	sst s5  }
0xe: {  	[smem:$0x3FB4] =	sst s6  }
0xf: {  	[smem:$0x3FB5] =	sst s7  }
0x10: {  	[smem:$0x3FB6] =	sst s8  }
0x11: {  	[smem:$0x3FB7] =	sst s9;
	s0 =	simm.s32 @!p0 $0x0  }
0x12: {  	s1 =	sld [smem:$0x3F9D];
	s0 =	simm.s32 @p0 $0x1  }
0x13: {  	[smem:$0x3FB8] =	sst s0;
	s0 =	simm.s32 @!p1 $0x0  }
0x14: {  	s2 =	sld [smem:$0x3F9C];
	s0 =	simm.s32 @p1 $0x1  }
0x15: {  	[smem:$0x3FB9] =	sst s0;
	s0 =	simm.s32 @!p2 $0x0  }
0x16: {  	s3 =	sld [smem:$0x3FDB];
	s0 =	simm.s32 @p2 $0x1  }
0x17: {  	s4 =	simm.s32 $0x1BF5;
	[smem:$0x3FBB] =	sst s0  }
0x18: {  	s0 =	sld [smem:$0x3F9E];
	_ =	swait.ge [sflag:s4], $0x0  }
0x19: {  	s7 =	sld [smem:$0x3F9F]  }
0x1a: {  	s8 =	sadd.s32 $0xFFFFE003, lr  }
0x1b: {  	s9 =	sadd.s32 $0xFFFFFEF7, lr;
	s5 =	simm.s32 $0xFFFFFFFF;
	p2 =	slt.u32 s8, $0xFFFFF086  }
0x1c: {  	p1 =	slt.u32 s9, $0xF7A;
	s5 =	simm.s32 @!p2 $0x0  }
0x1d: {  	s5 =	simm.s32 @p1 $0x1;
	p0 =	seq.s32 s7, s2  }
0x1e: {  	s7 =	smul.u32 @!p0 $0xF7A, s2;
	p2 =	seq.s32 @!p0 s5, $0x0  }
0x1f: {  	s9 =	smul.u32 $0xF7A, s1;
	s8 =	simm.s32 @!p0 $0x1BF5;
	p2 =	por !p2, p0  }
0x20: {  	[sflag:s8] =	ssyncset.s32 @!p0 $0xFFFFF086;
	s6 =	sadd.s32 @!p0 s3, s7;
	s7 =	simm.s32 @!p0 $0x108  }
0x21: {  	s3 =	sadd.s32 s3, s9;
	s6 =	sadd.s32 @!p0 $0x88, s6;
	s7 =	simm.s32 @p2 $0x1082  }
0x22: {  	[simem:s7], [sflag:s8] =	dma.local @!p0 [hbm:s6], $0xF7A  }
0x23: {  	s9 =	sor.u32 $0xD0000000, s2;
	s6 =	simm.s32 $0x108;
	_ =	swait.ge @!p0 [sflag:s8], $0x0  }
0x24: {  	s3 =	sadd.s32 $0x88, s3;
	s6 =	simm.s32 @!p1 $0x1082;
	[sflag:s4] =	ssyncset.s32 $0xFFFFF086  }
0x25: {  	[simem:s6], [sflag:s4] =	dma.local [hbm:s3], $0xF7A  }
0x26: {  	[smem:$0x3F9F] =	sst s1;
	(tag) =	ssettag s2;
	_ =	strace s9  }
0x27: {  	s1 =	sld [smem:$0x3FAF]  }
0x28: {  	s2 =	sld [smem:$0x3FB0]  }
0x29: {  	s4 =	sld [smem:$0x3FB2]  }
0x2a: {  	p0 =	seq.s32 s5, $0x0;
	s5 =	sld [smem:$0x3FB3]  }
0x2b: {  	s6 =	sld [smem:$0x3FB4]  }
0x2c: {  	s7 =	sld [smem:$0x3FB5]  }
0x2d: {  	s3 =	simm.s32 $0x108;
	s8 =	sld [smem:$0x3FB6]  }
0x2e: {  	s3 =	simm.s32 @!p0 $0x1082;
	s9 =	sld [smem:$0x3FB7]  }
0x2f: {  	lr =	sadd.s32 s0, s3;
	s0 =	sld [smem:$0x3FAE]  }
0x30: {  	s3 =	sld [smem:$0x3FB1]  }
0x31: {  	[smem:$0x3FBA] =	sst s10  }
0x32: {  	s10 =	sld [smem:$0x3FB8];
	_ =	sdelay $0x3  }
0x33: {  	p0 =	seq.s32 s10, $0x1;
	s10 =	sld [smem:$0x3FBA];
	_ =	sdelay $0x3  }
0x34: {  	[smem:$0x3FBA] =	sst s10  }
0x35: {  	s10 =	sld [smem:$0x3FB9];
	_ =	sdelay $0x3  }
0x36: {  	p1 =	seq.s32 s10, $0x1;
	s10 =	sld [smem:$0x3FBA];
	_ =	sdelay $0x3  }
0x37: {  	[smem:$0x3FBA] =	sst s10  }
0x38: {  	s10 =	sld [smem:$0x3FBB]  }
0x39: {  	_ = 	snop;
	(pc) =	sbr.ind lr, $3  }
0x3a: {  	_ = 	snop  }
0x3b: {  	_ = 	snop  }
0x3c: {  	p2 =	seq.s32 s10, $0x1;
	s10 =	sld [smem:$0x3FBA]  }
0x3d: {  	_ =	shalt  }
0x3e: {  	_ =	shalt  }
0x3f: {  	_ =	shalt  }
0x40: {  	_ =	shalt  }
0x41: {  	_ =	shalt  }
0x42: {  	_ =	shalt  }
0x43: {  	_ =	shalt  }
0x44: {  	_ =	shalt  }
0x45: {  	_ =	shalt  }
0x46: {  	_ =	shalt  }
0x47: {  	_ =	shalt  }
0x48: {  	_ =	shalt  }
0x49: {  	_ =	shalt  }
0x4a: {  	_ =	shalt  }
0x4b: {  	_ =	shalt  }
0x4c: {  	_ =	shalt  }
0x4d: {  	_ =	shalt  }
0x4e: {  	_ =	shalt  }
0x4f: {  	_ =	shalt  }
0x50: {  	_ =	shalt  }
0x51: {  	_ =	shalt  }
0x52: {  	_ =	shalt  }
0x53: {  	_ =	shalt  }
0x54: {  	_ =	shalt  }
0x55: {  	_ =	shalt  }
0x56: {  	_ =	shalt  }
0x57: {  	_ =	shalt  }
0x58: {  	_ =	shalt  }
0x59: {  	_ =	shalt  }
0x5a: {  	_ =	shalt  }
0x5b: {  	_ =	shalt  }
0x5c: {  	_ =	shalt  }
0x5d: {  	_ =	shalt  }
0x5e: {  	_ =	shalt  }
0x5f: {  	_ =	shalt  }
0x60: {  	_ =	shalt  }
0x61: {  	_ =	shalt  }
0x62: {  	_ =	shalt  }
0x63: {  	_ =	shalt  }
0x64: {  	_ =	shalt  }
0x65: {  	_ =	shalt  }
0x66: {  	_ =	shalt  }
0x67: {  	_ =	shalt  }
0x68: {  	_ =	shalt  }
0x69: {  	_ =	shalt  }
0x6a: {  	_ =	shalt  }
0x6b: {  	_ =	shalt  }
0x6c: {  	_ =	shalt  }
0x6d: {  	_ =	shalt  }
0x6e: {  	_ =	shalt  }
0x6f: {  	_ =	shalt  }
0x70: {  	_ =	shalt  }
0x71: {  	_ =	shalt  }
0x72: {  	_ =	shalt  }
0x73: {  	_ =	shalt  }
0x74: {  	_ =	shalt  }
0x75: {  	_ =	shalt  }
0x76: {  	_ =	shalt  }
0x77: {  	_ =	shalt  }
0x78: {  	_ =	shalt  }
0x79: {  	_ =	shalt  }
0x7a: {  	_ =	shalt  }
0x7b: {  	_ =	shalt  }
0x7c: {  	_ =	shalt  }
0x7d: {  	_ =	shalt  }
0x7e: {  	_ =	shalt  }
0x7f: {  	_ =	shalt  }
0x80: {  	_ =	shalt  }
0x81: {  	_ =	shalt  }
0x82: {  	_ =	shalt  }
0x83: {  	_ =	shalt  }
0x84: {  	_ =	shalt  }
0x85: {  	_ =	shalt  }
0x86: {  	_ =	shalt  }
0x87: {  	_ =	shalt  }
.Lfunc_end0:
.L_simem_size_0:
called_computation_lowered:
.L_overlay_start_0:
0x88: {  	s2 =	sld [smem:$0x3FD9]  }
0x89: {  	s3 =	sld [smem:$0x3FFE];
	_ =	sdelay $0x1  }
0x8a: {  	s1 =	srdreg.scid  }
0x8b: {  	s0 =	sand.u32 $0x1, s1  }
0x8c: {  	s17 =	sshll.u32 s0, $0xA;
	s2 =	sadd.s32 s3, s2  }
0x8d: {  	s2 =	sadd.s32 s2, s17  }
0x8e: {  	[smem:$0x3FC6] =	sst s2  }
0x8f: {  	_ = 	snop  }
0x90: {  	s2 =	sld [smem:$0x3FC9]  }
0x91: {  	s18 =	sld [smem:$0x3FC8]  }
0x92: {  	s4 =	sld [smem:$0x3FD0];
	(tm) =	ssettm $0x1  }
0x93: {  	s5 =	sld [smem:$0x3FFB];
	_ =	sdelay $0x3  }
0x94: {  	_ =	strace s5  }
0x95: {  	s5 =	sld [smem:$0x3FFC];
	_ =	sdelay $0x3  }
0x96: {  	_ =	strace s5  }
0x97: {  	s5 =	sld [smem:$0x3FFD];
	_ =	sdelay $0x3  }
0x98: {  	_ =	strace s5  }
0x99: {  	_ =	strace $0x8FFFFFFF  }
0x9a: {  	s19 =	sld [smem:$0x3FDB];
	_ =	sdelay $0x1  }
0x9b: {  	s6 =	simm.s32 $_scs_section_size  }
0x9c: {  	s7 =	simm.s32 $_size__tile_overlayer_lowered;
	s8 =	simm.s32 $_tile_overlayer_lowered  }
0x9d: {  	s22 =	simm.s32 $0x1BFF;
	s21 =	sshll.u32 s8, $0x1;
	s5 =	sadd.s32 s6, s19  }
0x9e: {  	s9 =	simm.s32 $0x0;
	s20 =	sshll.u32 s7, $0x1;
	s7 =	sadd.s32 s21, s5  }
0x9f: {  	[timem:s9], [sflag:s22] =	dma.local [hbm:s7], s20  }
0xa0: {  	_ =	swait.ge [sflag:s22], s20  }
0xa1: {  	s6 =	ssub.s32 $0x0, s20;
	[sflag:s22] =	ssyncset.done $0x0  }
0xa2: {  	[sflag:s22] =	ssyncadd.s32 s6;
	_ =	sdelay $0x1  }
0xa3: {  	s23 =	simm.s32 $0x1B8B  }
0xa4: {  	_ =	swait.ge [sflag:s23], $0x1  }
0xa5: {  	[sflag:s23] =	ssyncset.done $0x0  }
0xa6: {  	s25 =	simm.s32 $0x1B8E;
	s24 =	sld [smem:$0x3FFE];
	[sflag:s23] =	ssyncadd.s32 $0xFFFFFFFF  }
0xa7: {  	s26 =	simm.s32 $execute0_lowered;
	[smem:$0x3FD2] =	sst s25  }
0xa8: {  	s7 =	sshll.u32 s26, $0x1;
	_ =	strace $0x80000046;
	[dreg:$0x1] =	wrdreg $0xFFFFFFFF  }
0xa9: {  	s28 =	simm.s32 $_size_execute0_lowered;
	s5 =	sadd.s32 s5, s7;
	[dreg:$0x0] =	wrdreg $0x0  }
0xaa: {  	s7 =	sshll.u32 s28, $0x1;
	[dreg:$0x2] =	wrdreg s5  }
0xab: {  	[dreg:$0x3] =	wrdreg s7  }
0xac: {  	[dreg:$0x4] =	wrdreg $0xC0  }
0xad: {  	_ =	task [dreg:s9], $0x5FFFF  }
0xae: {  	[dreg:$0x1] =	wrdreg $0xFFFFFFFF  }
0xaf: {  	[dreg:$0x0] =	wrdreg $0x60  }
0xb0: {  	[dreg:$0x2] =	wrdreg s2  }
0xb1: {  	[dreg:$0x3] =	wrdreg s18  }
0xb2: {  	[dreg:$0x4] =	wrdreg s4  }
0xb3: {  	[dreg:$0x5] =	wrdreg s24  }
0xb4: {  	[dreg:$0x6] =	wrdreg $0x9  }
0xb5: {  	_ =	task.clear_ibuf [dreg:s9], $0x7FFFF;
	_ =	strace $0x90000046  }
0xb6: {  	s29 =	simm.s32 $0x9;
	_ =	strace $0x8000004B  }
0xb7: {  	_ =	swait.ge [sflag:s29], $0x1  }
0xb8: {  	[sflag:s29] =	ssyncadd.s32 $0xFFFFFFFF  }
0xb9: {  	_ =	strace $0x9000004B  }
0xba: {  	_ =	sfence  }
0xbb: {  	s30 =	sld [smem:$0x0];
	_ =	sdelay $0x2  }
0xbc: {  	s31 =	sshll.u32 s1, $0xD;
	s1 =	sshrl.u32 s1, $0x2  }
0xbd: {  	s3 =	sand.u32 $0x4000, s31;
	s1 =	sadd.s32 s1, s30  }
0xbe: {  	s0 =	sor.u32 s3, s0;
	s1 =	sshll.u32 s1, $0x11  }
0xbf: {  	s0 =	sor.u32 s1, s0  }
0xc0: {  	s0 =	sadd.s32 $0x8F2B, s0  }
0xc1: {  	[sflag:s0] =	ssyncadd.remote.s32 $0x1  }
0xc2: {  	_ =	sfence.sel $0xFFFF  }
0xc3: {  	[dreg:$0x0] =	wrdreg $0xFFFFFFFF;
	(pc) =	sbr.abs _section_cstart, $3  }
0xc4: {  	[dreg:$0x1] =	wrdreg $0xFFFFFFFF  }
0xc5: {  	_ =	task.clear_ibuf [dreg:s9], $0x2FFFF;
	_ =	strace $0x9FFFFFFF  }
0xc6: {  	(tm) =	ssettm $0x7FFFFFFF  }
0xc7: {  	_ =	shalt  }
tec
execute0_lowered:
.L_overlay_start_1:
0x0: {  	(tag) =	ssettag $0x1  }
0x1: {  	s1 =	rddreg [dreg:$0x0]  }
0x2: {  	s2 =	rddreg [dreg:$0x1]  }
0x3: {  	s4 =	rddreg [dreg:$0x2];
	s3 =	srdreg.scid  }
0x4: {  	s0 =	stileid.u32;
	s8 =	rddreg [dreg:$0x3];
	s5 =	simm.s32 $0x0  }
0x5: {  	s13 =	simm.s32 $0xC180;
	s14 =	simm.s32 $0x8000;
	s15 =	simm.s32 $0xC200  }
0x6: {  	s16 =	simm.s32 $0x1C200;
	s7 =	sand.u32 $0x1, s3;
	s6 =	sshll.u32 s0, $0x1  }
0x7: {  	v0 =	vimm.s32 $0xEDCBA987;
	v1 =	vimm.s32 $0x65432100;
	s17 =	simm.s32 $0x1E200;
	s3 =	rddreg [dreg:$0x4];
	s9 =	sor.u32 s7, s6  }
0x8: {  	s18 =	simm.s32 $0x0;
	[smem:$0x7FF] =	sst s5;
	v3 =	vunpack.c.l.s4.s8 v0;
	v5 =	vunpack.c.l.s4.s8 v1;
	s6 =	smul.u32 $0x1F, s9  }
.Ltmp0:
0x9: {  	v4 =	vimm.s32 $0x0;
	s8 =	sadd.s32 $0x400, s8;
	s7 =	ssub.s32 $0x2, s7;
	(pc) =	sbr.rel .LBB2_1-.Ltmp0, $4  }
0xa: {  	s10 =	sshrl.u32 s7, $0x1;
	s12 =	sor.u32 $0x4000, s9;
	s31 =	smul.u32 $0xFFFF8400, s9;
	v7 =	vunpack.c.0.s8.s32 v3;
	v8 =	vunpack.c.0.s8.s32 v5;
	v5 =	vlaneseq.u32  }
0xb: {  	v6 =	vimm.s32 $0x1;
	_ =	strace $0x80000047;
	s10 =	ssub.s32 s7, s10;
	v0 =	vmov s12;
	v9 =	vadd.s32 $0x1, v5;
	s11 =	smin.u32 s6, $0x3B2  }
0xc: {  	s12 =	simm.s32 $0xC080;
	v1 =	vmov s6;
	s9 =	smax.u32 s10, $0x1;
	v3 =	vmov s31;
	v7 =	vand.u32 $0xF, v7;
	s7 =	sadd.s32 $0x1F, s11  }
0xd: {  	s10 =	simm.s32 $0x2;
	s11 =	simm.s32 $0x4000;
	v7 =	vcombine.low v8, v7;
	v8 =	vor.u32 $0x80000000, v5;
	v2 =	vmov s7;
	p0 =	slt.u32 s6, s7  }
.LBB2_21:
0xe: {  	p1 =	slt.s32 s19, $0x1;
	_ =	strace $0x9000004A  }
0xf: {  	s19 =	simm.s32 @!p1 $0x40;
	s20 =	simm.s32 @!p1 $0x1E200;
	s21 =	simm.s32 @!p1 $0x1C200  }
0x10: {  	[hbm4b:s8+s19] =	stream.indirect.scatter @!p1 [tilespmem:s21], [sflag:$0x1], $0x80, s20, s19, $0xb8;
	[tilespmem:$0x1E280] =	vst v63  }
0x11: {  	s19 =	simm.s32 @!p1 $0x1  }
0x12: {  	_ =	swait.ge @!p1 [sflag:s19], $0x2000  }
0x13: {  	[sflag:s19] =	ssyncset.done @!p1 $0x0  }
0x14: {  	[sflag:s19] =	ssyncadd.s32 @!p1 $0xFFFFE000  }
0x15: {  	[tilespmem:$0x1E200] =	vst @!p1 v0  }
0x16: {  	[tilespmem:$0x1E210] =	vst @!p1 v0  }
0x17: {  	[tilespmem:$0x1E220] =	vst @!p1 v0  }
0x18: {  	[tilespmem:$0x1E230] =	vst @!p1 v0  }
.LBB2_22:
0x19: {  	s18 =	sadd.s32 $0x1, s18  }
0x1a: {  	p1 =	sne.s32 s18, s9  }
.Ltmp1:
0x1b: {  	_ = 	snop;
	(pc) =	sbr.rel @!p1 .LBB2_23-.Ltmp1, $1  }
0x1c: {  	_ =	sdelay $0x3  }
.LBB2_1:
0x1d: {  	[tilespmem:s5], [sflag:$0x2] =	stream.linear.gather [hbm4b:s1+s5], $0x4000, $0x38;
	[tilespmem:$0x1E280] =	vst v63  }
0x1e: {  	_ =	swait.ge [sflag:s10], $0x4000  }
0x1f: {  	[sflag:s10] =	ssyncset.done $0x0  }
0x20: {  	[sflag:s10] =	ssyncadd.s32 $0xFFFFC000  }
0x21: {  	_ =	strace $0x80000048  }
0x22: {  	v10 =	vld [tilespmem:s5+$0x0];
	_ =	sdelay $0x4  }
0x23: {  	v11 =	vshrl.u32 v10, $0xA  }
0x24: {  	vm0 =	vge.u32 v11, v1;
	vm1 =	vlt.u32 v11, v2  }
0x25: {  	vm0 =	vmand vm0, vm1  }
0x26: {  	v11 =	vsel vm0, $0x1, v4  }
0x27: {  	(xrf0) =	vadd.scan.msk.s32 $0xffff, v11;
	_ =	sdelay $0x2  }
0x28: {  	v11 =	vmov s5  }
0x29: {  	v11 =	vadd.s32 $0xFFFFFFFF, v11  }
0x2a: {  	v11 =	vbroadcast v11, $0x0  }
0x2b: {  	v12, _, _ =	vpop (xrf0)  }
0x2c: {  	v11 =	vadd.s32 v12, v11;
	(v2sf) =	vpush v12, $0xF  }
0x2d: {  	v10 =	vadd.s32 v3, v10  }
0x2e: {  	v10 =	vshll.u32 v10, $0xE  }
0x2f: {  	v10 =	vadd.s32 s5, v10  }
0x30: {  	v10 =	vadd.s32 v5, v10  }
0x31: {  	s19 =	simm.s32 $0x10;
	[tilespmem:v11+s11+$0x0] =	vst.idx.msk vm0, v10  }
0x32: {  	s21 =	simm.s32 $0x20;
	s20 =	simm.s32 $0x0;
	s22 =	simm.s32 $0x10;
	v10 =	vld [tilespmem:s19+$0x0]  }
.LBB2_2:
0x33: {  	p1 =	sne.s32 s21, $0x3FF0;
	_ =	sdelay $0x3  }
0x34: {  	v11 =	vshrl.u32 v10, $0xA;
	v10 =	vadd.s32 v3, v10  }
0x35: {  	vm0 =	vge.u32 v11, v1;
	vm1 =	vlt.u32 v11, v2  }
0x36: {  	vm0 =	vmand vm0, vm1  }
0x37: {  	v11 =	vsel vm0, $0x1, v4  }
0x38: {  	(xrf0) =	vadd.scan.msk.s32 $0xffff, v11;
	s23 =	spop (v2sf)  }
0x39: {  	s20 =	sadd.s32 s20, s23  }
0x3a: {  	v11 =	vmov s20  }
0x3b: {  	v11 =	vadd.s32 $0xFFFFFFFF, v11  }
0x3c: {  	v11 =	vbroadcast v11, $0x0;
	_ =	sdelay $0x1  }
0x3d: {  	v12, _, _ =	vpop (xrf0)  }
0x3e: {  	v11 =	vadd.s32 v12, v11;
	(v2sf) =	vpush v12, $0xF;
	_ =	sdelay $0x1  }
.Ltmp2:
0x3f: {  	v10 =	vshll.u32 v10, $0xE;
	(pc) =	sbr.rel @p1 .LBB2_2-.Ltmp2, $4  }
0x40: {  	v10 =	vadd.s32 s19, v10;
	s19 =	smov.u32 s21  }
0x41: {  	v10 =	vadd.s32 v5, v10  }
0x42: {  	s22 =	sadd.s32 $0x10, s22;
	[tilespmem:v11+s11+$0x0] =	vst.idx.msk vm0, v10  }
0x43: {  	s21 =	sadd.s32 $0x10, s21;
	v10 =	vld [tilespmem:s22+$0x0]  }
0x44: {  	_ =	sdelay $0x3  }
0x45: {  	v11 =	vshrl.u32 v10, $0xA  }
0x46: {  	vm0 =	vge.u32 v11, v1;
	vm1 =	vlt.u32 v11, v2  }
0x47: {  	vm0 =	vmand vm0, vm1  }
0x48: {  	v11 =	vsel vm0, $0x1, v4  }
0x49: {  	(xrf0) =	vadd.scan.msk.s32 $0xffff, v11;
	_ =	sdelay $0x5  }
0x4a: {  	v11, _, _ =	vpop (xrf0)  }
0x4b: {  	(v2sf) =	vpush v11, $0xF;
	_ =	sdelay $0x6  }
0x4c: {  	s21 =	spop (v2sf)  }
0x4d: {  	s20 =	sadd.s32 s20, s21  }
0x4e: {  	v12 =	vmov s20  }
0x4f: {  	v12 =	vadd.s32 $0xFFFFFFFF, v12  }
0x50: {  	v12 =	vbroadcast v12, $0x0;
	_ =	sdelay $0x1  }
0x51: {  	v11 =	vadd.s32 v11, v12  }
0x52: {  	v10 =	vadd.s32 v3, v10  }
0x53: {  	v10 =	vshll.u32 v10, $0xE;
	s30 =	spop (v2sf)  }
0x54: {  	v10 =	vadd.s32 s19, v10;
	s20 =	sadd.s32 s20, s30  }
0x55: {  	v10 =	vadd.s32 v5, v10;
	s19 =	sadd.s32 $0xF, s20  }
0x56: {  	[tilespmem:v11+s11+$0x0] =	vst.idx.msk vm0, v10;
	p1 =	slt.s32 s19, $0x10  }
.Ltmp3:
0x57: {  	_ =	strace $0x90000048;
	(pc) =	sbr.rel @p1 .LBB2_10-.Ltmp3, $4  }
0x58: {  	_ =	strace $0x80000049;
	[tilespmem:$0xC080] =	vst v4;
	s31 =	sshra.s32 s19, $0x1F  }
0x59: {  	[tilespmem:$0xC090] =	vst v4;
	s21 =	sshrl.u32 s31, $0x1C  }
0x5a: {  	[tilespmem:$0xC0A0] =	vst v4;
	s21 =	sadd.s32 s21, s19  }
0x5b: {  	[tilespmem:$0xC0B0] =	vst v4;
	s19 =	sshra.s32 s21, $0x4  }
0x5c: {  	p3 =	sne.s32 s19, $0x1  }
.Ltmp4:
0x5d: {  	_ = 	snop;
	(pc) =	sbr.rel @!p3 .LBB2_5-.Ltmp4, $3  }
0x5e: {  	_ =	sdelay $0x1  }
0x5f: {  	s22 =	simm.s32 $0x4000  }
0x60: {  	v10 =	vmov s20;
	s21 =	simm.s32 $0x0;
	p2 =	por $0x0, $0x0;
	v11 =	vld [tilespmem:s22+$0x0];
	s22 =	sadd.s32 $0xFFFFFFFF, s19  }
0x61: {  	_ =	sdelay $0x2  }
0x62: {  	v12 =	vor.u32 s21, v5  }
0x63: {  	vm0 =	vlt.s32 v12, v10;
	v11 =	vshrl.u32 v11, $0x18  }
0x64: {  	v11 =	vnsel vm0, $0x30, v11  }
0x65: {  	p3 =	sne.s32 s22, $0x1  }
.Ltmp5:
0x66: {  	_ = 	snop;
	(pc) =	sbr.rel @!p3 .LBB2_7-.Ltmp5, $3  }
0x67: {  	_ =	sdelay $0x1  }
0x68: {  	s23 =	simm.s32 $0x4010;
	[tilespmem:v11+s12+$0x0] =	vst.idx.add.s32.msk vm0, v6  }
0x69: {  	s24 =	sadd.s32 $0xFFFFFFFF, s22;
	p2 =	por $0x1, $0x1;
	s22 =	simm.s32 $0x0;
	v11 =	vld [tilespmem:s23+$0x0]  }
.LBB2_8:
0x6a: {  	p3 =	sne.s32 s24, $0x1;
	_ =	sdelay $0x1  }
0x6b: {  	s22 =	sadd.s32 $0x10, s22  }
0x6c: {  	v12 =	vor.u32 s22, v5  }
0x6d: {  	vm0 =	vlt.s32 v12, v10;
	v11 =	vshrl.u32 v11, $0x18  }
0x6e: {  	v11 =	vnsel vm0, $0x30, v11;
	_ =	sdelay $0x1  }
.Ltmp6:
0x6f: {  	(pc) =	sbr.rel @p3 .LBB2_8-.Ltmp6, $3  }
0x70: {  	_ =	sdelay $0x1  }
0x71: {  	s23 =	sadd.s32 $0x10, s23;
	[tilespmem:v11+s12+$0x0] =	vst.idx.add.s32.msk vm0, v6  }
0x72: {  	s24 =	sadd.s32 $0xFFFFFFFF, s24;
	v11 =	vld [tilespmem:s23+$0x0]  }
.LBB2_9:
0x73: {  	_ = 	snop  }
0x74: {  	s22 =	sadd.s32 @p2 $0x10, s22  }
0x75: {  	s21 =	smov.u32 @p2 s22  }
0x76: {  	v12 =	vor.u32 s21, v5  }
0x77: {  	vm0 =	vlt.s32 v12, v10;
	v10 =	vshrl.u32 v11, $0x18  }
0x78: {  	v10 =	vnsel vm0, $0x30, v10;
	_ =	sdelay $0x4  }
0x79: {  	[tilespmem:v10+s12+$0x0] =	vst.idx.add.s32.msk vm0, v6  }
.LBB2_10:
0x7a: {  	v10 =	vld [tilespmem:$0xC080]  }
0x7b: {  	v11 =	vld [tilespmem:$0xC090];
	_ =	sdelay $0x3  }
0x7c: {  	(xrf0) =	vadd.scan.msk.s32 $0xffff, v10  }
0x7d: {  	(xrf0) =	vadd.scan.msk.s32 $0xffff, v11;
	_ =	sdelay $0x4  }
0x7e: {  	v12, _, _ =	vpop (xrf0)  }
.Ltmp7:
0x7f: {  	v13, _, _ =	vpop (xrf0);
	v14 =	vbroadcast v12, $0xF;
	v10 =	vsub.s32 v12, v10;
	(pc) =	sbr.rel @p1 .LBB2_13-.Ltmp7, $4  }
0x80: {  	v11 =	vsub.s32 v13, v11;
	[tilespmem:$0xC080] =	vst v10  }
0x81: {  	[tilespmem:$0xC100] =	vst v10;
	v11 =	vadd.s32 v14, v11  }
0x82: {  	[tilespmem:$0xC090] =	vst v11  }
0x83: {  	[tilespmem:$0xC110] =	vst v11  }
0x84: {  	v10 =	vmov s20;
	s20 =	simm.s32 $0x4000;
	s21 =	simm.s32 $0x0  }
.LBB2_12:
0x85: {  	v11 =	vld [tilespmem:s20+$0x0];
	_ =	sdelay $0x4  }
0x86: {  	v12 =	vor.u32 s21, v5;
	v11 =	vshrl.u32 v11, $0x18  }
0x87: {  	vm0 =	vlt.s32 v12, v10;
	v11 =	vor.u32 $0x80000000, v11  }
0x88: {  	v11 =	vnsel vm0, $0x80000030, v11  }
0x89: {  	(xrf1) =	vsort.ascd.msk.u32 $0xffff, v11, v5;
	_ =	sdelay $0xd  }
0x8a: {  	v11, v62, _ =	vpop (xrf1)  }
0x8b: {  	v12 =	vadd.s32 s21, v62;
	_ =	sdelay $0x3  }
0x8c: {  	v11 =	vxor.u32 $0x80000000, v11  }
0x8d: {  	v12 =	vld.idx.msk [tilespmem:v12+s11+$0x0], $0xffff;
	[tilespmem:$0xC180] =	vst v11  }
0x8e: {  	v13 =	vld.idx.msk [tilespmem:v7+s13+$0x0], $0xffff;
	_ =	sdelay $0x4  }
0x8f: {  	vm14 =	veq.s32 v13, v11  }
0x90: {  	v13 =	vsel vm14, $0x80000000, v8  }
0x91: {  	(xrf0) =	vmax.scan.msk.u32 $0xffff, v13;
	_ =	sdelay $0x2  }
0x92: {  	v63 =	vld.idx.msk [tilespmem:v11+s12+$0x0], $0xffff;
	_ =	sdelay $0x2  }
0x93: {  	v14, _, _ =	vpop (xrf0)  }
0x94: {  	v14 =	vxor.u32 $0x7FFFFFFF, v14  }
0x95: {  	vm15 =	vlt.s32 v11, $0x30;
	v13 =	vadd.s32 v14, v63  }
0x96: {  	v13 =	vadd.s32 v9, v13  }
0x97: {  	p1 =	sne.s32 s19, $0x1  }
.Ltmp8:
0x98: {  	_ = 	snop;
	(pc) =	sbr.rel @p1 .LBB2_12-.Ltmp8, $3  }
0x99: {  	_ =	sdelay $0x1  }
0x9a: {  	[tilespmem:v13+s14+$0x0] =	vst.idx.msk vm15, v12  }
0x9b: {  	s20 =	sadd.s32 $0x10, s20;
	s19 =	sadd.s32 $0xFFFFFFFF, s19;
	s21 =	sadd.s32 $0x10, s21;
	[tilespmem:v11+s12+$0x0] =	vst.idx.add.s32.msk vm15, v6  }
.LBB2_13:
.Ltmp9:
0x9c: {  	_ =	strace $0x90000049;
	[tilespmem:$0x1E200] =	vst v0;
	(pc) =	sbr.rel @p0 .LBB2_15-.Ltmp9, $4  }
0x9d: {  	[tilespmem:$0x1E210] =	vst v0  }
0x9e: {  	[tilespmem:$0x1E220] =	vst v0  }
0x9f: {  	[tilespmem:$0x1E230] =	vst v0  }
0xa0: {  	s19 =	simm.s32 $0x0;
	s20 =	smov.u32 s6;
	_ =	strace $0x8000004A  }
.Ltmp10:
0xa1: {  	(pc) =	sbr.rel .LBB2_22-.Ltmp10, $2  }
0xa2: {  	_ =	sdelay $0x2  }
0xa3: {  	_ =	strace $0x9000004A  }
.LBB2_20:
0xa4: {  	s20 =	sadd.s32 $0x1, s20  }
0xa5: {  	p1 =	slt.u32 s20, s7  }
.Ltmp11:
0xa6: {  	_ = 	snop;
	(pc) =	sbr.rel @!p1 .LBB2_21-.Ltmp11, $1  }
0xa7: {  	_ =	sdelay $0x3  }
.LBB2_15:
0xa8: {  	p1 =	sne.s32 s20, $0x3D0  }
0xa9: {  	s21 =	sshll.u32 @p1 s20, $0xA;
	s22 =	simm.s32 @p1 $0x2000  }
0xaa: {  	s23 =	simm.s32 @p1 $0x7A1400;
	s24 =	simm.s32 @p1 $0xC200;
	s21 =	sadd.s32 @p1 s2, s21  }
0xab: {  	[tilespmem:s24], [sflag:$0x2] =	stream.strided.gather @p1 [hbm4b:s21+s22], $0x10000, s23, s22, $0x200038;
	[tilespmem:$0x1E280] =	vst v63  }
0xac: {  	s21 =	simm.s32 @!p1 $0x0;
	s22 =	simm.s32 @!p1 $0xC200  }
0xad: {  	[tilespmem:s22], [sflag:$0x2] =	stream.linear.gather @!p1 [hbm4b:s4+s21], $0x10000, $0x200038;
	[tilespmem:$0x1E280] =	vst v63  }
0xae: {  	_ =	swait.ge [sflag:s10], $0x10000  }
0xaf: {  	s29 =	ssub.s32 s20, s6;
	[sflag:s10] =	ssyncset.done $0x0  }
0xb0: {  	s30 =	sand.u32 $0x7FFFFFF0, s29;
	[sflag:s10] =	ssyncadd.s32 $0xFFFF0000  }
0xb1: {  	v10 =	vld [tilespmem:s30+$0xC100]  }
0xb2: {  	v11 =	vld [tilespmem:s30+$0xC080]  }
0xb3: {  	s21 =	sand.u32 $0xF, s29  }
0xb4: {  	v12 =	vmov s21  }
0xb5: {  	vm0 =	veq.s32 v12, v5  }
0xb6: {  	v10 =	vnsel vm0, $0x0, v10  }
0xb7: {  	(xrf0) =	vadd.scan.msk.s32 $0xffff, v10;
	v10 =	vnsel vm0, $0x0, v11  }
0xb8: {  	(xrf0) =	vadd.scan.msk.s32 $0xffff, v10;
	_ =	sdelay $0x4  }
0xb9: {  	v10, _, _ =	vpop (xrf0)  }
0xba: {  	(v2sf) =	vpush v10, $0xF;
	v10, _, _ =	vpop (xrf0)  }
0xbb: {  	(v2sf) =	vpush v10, $0xF;
	_ =	sdelay $0xd  }
0xbc: {  	s21 =	spop (v2sf)  }
0xbd: {  	s31 =	spop (v2sf)  }
0xbe: {  	s22 =	ssub.s32 s31, s21  }
0xbf: {  	s22 =	sadd.s32 $0xF, s22  }
0xc0: {  	s22 =	sshrl.u32 s22, $0x4  }
0xc1: {  	p1 =	seq.s32 s22, $0x0  }
.Ltmp12:
0xc2: {  	_ = 	snop;
	(pc) =	sbr.rel @p1 .LBB2_20-.Ltmp12, $1  }
0xc3: {  	_ =	sdelay $0x3  }
0xc4: {  	v10 =	vbroadcast v10, $0xF;
	s23 =	simm.s32 $0x0;
	v11 =	vmov s21  }
.LBB2_17:
0xc5: {  	_ =	sdelay $0x1  }
0xc6: {  	s24 =	sshll.u32 s23, $0x4  }
0xc7: {  	s25 =	sadd.s32 s21, s24  }
0xc8: {  	v12 =	vld.idx.msk [tilespmem:v11+s24+$0x8000 ss:$0x1], $0xffff;
	v13 =	vadd.s32 s25, v5  }
0xc9: {  	vm0 =	vlt.s32 v13, v10  }
0xca: {  	v13 =	vsel vm0, $0x1, v4  }
0xcb: {  	(xrf0) =	vadd.scan.msk.s32 $0xffff, v13;
	_ =	sdelay $0x1  }
0xcc: {  	v14 =	vmov s19;
	v13 =	vshrl.u32 v12, $0xE;
	v15 =	vshrl.u32 v12, $0xB  }
0xcd: {  	v25 =	vimm.s32 $0x0;
	v13 =	vand.u32 $0x7F, v13;
	v15 =	vand.u32 $0x1C00, v15  }
0xce: {  	v16 =	vadd.s32 $0xFFFFFFFF, v14;
	v26 =	vshll.u32 v25, $0xA;
	v14 =	vor.u32 v15, v13  }
0xcf: {  	v13 =	vbroadcast v16, $0x0;
	v18 =	vor.u32 v26, v14  }
0xd0: {  	v15, _, _ =	vpop (xrf0)  }
0xd1: {  	v13 =	vadd.s32 v15, v13  }
0xd2: {  	v17 =	vand.u32 $0xFFFFFF80, v25;
	v16 =	vshll.u32 v13, $0x7  }
0xd3: {  	v19 =	vand.u32 $0x78, v25;
	v20 =	vadd.s32 v16, v17  }
0xd4: {  	v17 =	vor.u32 $0x80, v14;
	v18 =	vld.idx.msk [tilespmem:v18+s15+$0x0], $0xffff;
	v20 =	vor.u32 v19, v20  }
0xd5: {  	v19 =	vor.u32 v26, v17;
	_ =	sdelay $0x3  }
0xd6: {  	[tilespmem:v20+s16+$0x0] =	vst.idx.msk vm0, v18  }
0xd7: {  	v21 =	vor.u32 $0x1, v20;
	v18 =	vor.u32 $0x100, v14;
	v19 =	vld.idx.msk [tilespmem:v19+s15+$0x0], $0xffff  }
0xd8: {  	v22 =	vor.u32 v26, v18;
	_ =	sdelay $0x3  }
0xd9: {  	[tilespmem:v21+s16+$0x0] =	vst.idx.msk vm0, v19  }
0xda: {  	v19 =	vor.u32 $0x180, v14;
	v21 =	vld.idx.msk [tilespmem:v22+s15+$0x0], $0xffff;
	v22 =	vor.u32 $0x2, v20  }
0xdb: {  	v23 =	vor.u32 v26, v19;
	_ =	sdelay $0x3  }
0xdc: {  	[tilespmem:v22+s16+$0x0] =	vst.idx.msk vm0, v21  }
0xdd: {  	v21 =	vor.u32 $0x200, v14;
	v22 =	vld.idx.msk [tilespmem:v23+s15+$0x0], $0xffff;
	v23 =	vor.u32 $0x3, v20  }
0xde: {  	v24 =	vor.u32 v26, v21;
	_ =	sdelay $0x3  }
0xdf: {  	[tilespmem:v23+s16+$0x0] =	vst.idx.msk vm0, v22  }
0xe0: {  	v22 =	vor.u32 $0x280, v14;
	v23 =	vld.idx.msk [tilespmem:v24+s15+$0x0], $0xffff;
	v24 =	vor.u32 $0x4, v20  }
0xe1: {  	v27 =	vor.u32 v26, v22;
	_ =	sdelay $0x3  }
0xe2: {  	[tilespmem:v24+s16+$0x0] =	vst.idx.msk vm0, v23  }
0xe3: {  	v23 =	vor.u32 $0x300, v14;
	v24 =	vld.idx.msk [tilespmem:v27+s15+$0x0], $0xffff;
	v27 =	vor.u32 $0x5, v20  }
0xe4: {  	v28 =	vor.u32 v26, v23;
	_ =	sdelay $0x3  }
0xe5: {  	[tilespmem:v27+s16+$0x0] =	vst.idx.msk vm0, v24  }
0xe6: {  	v63 =	vor.u32 $0x6, v20;
	v24 =	vor.u32 $0x380, v14;
	v27 =	vld.idx.msk [tilespmem:v28+s15+$0x0], $0xffff  }
0xe7: {  	v26 =	vor.u32 v26, v24;
	_ =	sdelay $0x3  }
0xe8: {  	[tilespmem:v63+s16+$0x0] =	vst.idx.msk vm0, v27  }
0xe9: {  	s24 =	simm.s32 $0x0;
	v25 =	vadd.s32 $0x8, v25;
	v26 =	vld.idx.msk [tilespmem:v26+s15+$0x0], $0xffff  }
.LBB2_18:
0xea: {  	v27 =	vshll.u32 v25, $0xA;
	s24 =	sadd.s32 $0x8, s24;
	v20 =	vor.u32 $0x7, v20  }
0xeb: {  	v28 =	vor.u32 v27, v14;
	p1 =	slt.u32 s24, $0x38;
	_ =	sdelay $0x3  }
0xec: {  	v29 =	vand.u32 $0xFFFFFF80, v25;
	[tilespmem:v20+s16+$0x0] =	vst.idx.msk vm0, v26  }
0xed: {  	v20 =	vand.u32 $0x78, v25;
	v26 =	vld.idx.msk [tilespmem:v28+s15+$0x0], $0xffff;
	v28 =	vadd.s32 v16, v29  }
0xee: {  	v20 =	vor.u32 v20, v28  }
0xef: {  	v28 =	vor.u32 v27, v17;
	_ =	sdelay $0x3  }
0xf0: {  	[tilespmem:v20+s16+$0x0] =	vst.idx.msk vm0, v26  }
0xf1: {  	v26 =	vld.idx.msk [tilespmem:v28+s15+$0x0], $0xffff  }
0xf2: {  	v28 =	vor.u32 $0x1, v20  }
0xf3: {  	v29 =	vor.u32 v27, v18;
	_ =	sdelay $0x3  }
0xf4: {  	[tilespmem:v28+s16+$0x0] =	vst.idx.msk vm0, v26  }
0xf5: {  	v26 =	vld.idx.msk [tilespmem:v29+s15+$0x0], $0xffff  }
0xf6: {  	v28 =	vor.u32 $0x2, v20  }
0xf7: {  	v29 =	vor.u32 v27, v19;
	_ =	sdelay $0x3  }
0xf8: {  	[tilespmem:v28+s16+$0x0] =	vst.idx.msk vm0, v26  }
0xf9: {  	v26 =	vld.idx.msk [tilespmem:v29+s15+$0x0], $0xffff  }
0xfa: {  	v28 =	vor.u32 $0x3, v20  }
0xfb: {  	v29 =	vor.u32 v27, v21;
	_ =	sdelay $0x3  }
0xfc: {  	[tilespmem:v28+s16+$0x0] =	vst.idx.msk vm0, v26  }
0xfd: {  	v26 =	vld.idx.msk [tilespmem:v29+s15+$0x0], $0xffff  }
0xfe: {  	v28 =	vor.u32 $0x4, v20  }
0xff: {  	v29 =	vor.u32 v27, v22;
	_ =	sdelay $0x3  }
0x100: {  	[tilespmem:v28+s16+$0x0] =	vst.idx.msk vm0, v26  }
0x101: {  	v26 =	vld.idx.msk [tilespmem:v29+s15+$0x0], $0xffff  }
0x102: {  	v28 =	vor.u32 $0x5, v20  }
0x103: {  	v29 =	vor.u32 v27, v23;
	_ =	sdelay $0x3  }
0x104: {  	[tilespmem:v28+s16+$0x0] =	vst.idx.msk vm0, v26  }
0x105: {  	v26 =	vld.idx.msk [tilespmem:v29+s15+$0x0], $0xffff  }
0x106: {  	v28 =	vor.u32 $0x6, v20  }
0x107: {  	v27 =	vor.u32 v27, v24  }
.Ltmp13:
0x108: {  	(pc) =	sbr.rel @p1 .LBB2_18-.Ltmp13, $3  }
0x109: {  	_ =	sdelay $0x1  }
0x10a: {  	[tilespmem:v28+s16+$0x0] =	vst.idx.msk vm0, v26  }
0x10b: {  	v25 =	vadd.s32 $0x8, v25;
	v26 =	vld.idx.msk [tilespmem:v27+s15+$0x0], $0xffff  }
0x10c: {  	(v2sf) =	vpush v15, $0xF;
	_ =	sdelay $0xb  }
0x10d: {  	v14 =	vor.u32 $0x7, v20;
	_ =	sdelay $0x2  }
0x10e: {  	s24 =	spop (v2sf)  }
0x10f: {  	s19 =	sadd.s32 s19, s24  }
0x110: {  	v12 =	vand.u32 $0x3FFF, v12;
	[tilespmem:v14+s16+$0x0] =	vst.idx.msk vm0, v26;
	p1 =	slt.s32 s19, $0x31  }
0x111: {  	[tilespmem:v13+s17+$0x0] =	vst.idx.msk vm0, v12;
	s24 =	simm.s32 @!p1 $0x40;
	s25 =	simm.s32 @!p1 $0x1E200;
	s26 =	simm.s32 @!p1 $0x1C200  }
0x112: {  	[hbm4b:s8+s24] =	stream.indirect.scatter @!p1 [tilespmem:s26], [sflag:$0x1], $0x80, s25, s24, $0x2000b8;
	[tilespmem:$0x1E280] =	vst v63  }
0x113: {  	s24 =	simm.s32 @!p1 $0x1  }
0x114: {  	s23 =	sadd.s32 $0x1, s23;
	_ =	swait.ge @!p1 [sflag:s24], $0x2000  }
0x115: {  	p2 =	sne.s32 s23, s22;
	[sflag:s24] =	ssyncset.done @!p1 $0x0  }
.Ltmp14:
0x116: {  	[sflag:s24] =	ssyncadd.s32 @!p1 $0xFFFFE000;
	(pc) =	sbr.rel @p2 .LBB2_17-.Ltmp14, $4  }
.Ltmp15:
0x117: {  	[tilespmem:$0x1E200] =	vst @!p1 v0;
	(pc) =	sbr.rel @!p2 .LBB2_20-.Ltmp15, $4  }
0x118: {  	[tilespmem:$0x1E210] =	vst @!p1 v0  }
0x119: {  	[tilespmem:$0x1E220] =	vst @!p1 v0  }
0x11a: {  	s19 =	simm.s32 @!p1 $0x0;
	[tilespmem:$0x1E230] =	vst @!p1 v0  }
0x11b: {  	_ = 	snop  }
.LBB2_5:
.Ltmp16:
0x11c: {  	(pc) =	sbr.rel .LBB2_9-.Ltmp16, $2  }
0x11d: {  	_ =	sdelay $0x2  }
0x11e: {  	s22 =	simm.s32 $0x0  }
.LBB2_7:
.Ltmp17:
0x11f: {  	(pc) =	sbr.rel .LBB2_9-.Ltmp17, $2  }
0x120: {  	_ =	sdelay $0x2  }
0x121: {  	s22 =	simm.s32 $0x0  }
.LBB2_23:
0x122: {  	_ =	sfence.sel $0x180000  }
0x123: {  	[bflag:$0x0] =	sbarrier.arrive $0xFFFF  }
0x124: {  	p0 =	sne.s32 s0, $0x0;
	_ =	strace $0x90000047  }
0x125: {  	s0 =	sadd.s32 @!p0 $0x100000, s3;
	[bflag:$0x2] =	sbarrier.arrive $0xFFFF  }
0x126: {  	[sflag:s0] =	ssyncadd.tile.s32 @!p0 $0x1;
	_ =	shalt  }
.Lfunc_end2:
_tile_overlayer_lowered:
.L_overlay_start_2:
0x127: {  	(tag) =	ssettag $0x2  }
0x128: {  	s0 =	rddreg [dreg:$0x0];
	s2 =	stileid.u32  }
0x129: {  	s1 =	rddreg [dreg:$0x1];
	p0 =	sne.s32 s2, $0x0  }
0x12a: {  	s3 =	rddreg [dreg:$0x2];
	[bflag:$0x3] =	sbarrier.arrive $0xFFFF;
	s2 =	simm.s32 @!p0 $0x1C02  }
0x12b: {  	[timem:s3], [sflag:s2] =	dma.local @!p0 [hbm:s0], s1  }
0x12c: {  	s0 =	simm.s32 @!p0 $0x2  }
0x12d: {  	_ =	swait.ge @!p0 [sflag:s0], s1  }
0x12e: {  	s1 =	ssub.s32 @!p0 $0x0, s1;
	[sflag:s0] =	ssyncset.done @!p0 $0x0  }
0x12f: {  	[sflag:s0] =	ssyncadd.s32 @!p0 s1  }
0x130: {  	[bflag:$0x3] =	sbarrier.arrive $0xFFFF  }
0x131: {  	_ =	shalt  }

</sc_bundles>
